<compile_context>
chip_gen: v7x
topology: tpu7x:2x2x1
jax: 0.10.2.dev20260603
libtpu: 0.0.44.dev20260713+nightly
codegen_flags: <defaults>
</compile_context>

<pallas_src>
import functools

import numpy as np
import jax
import jax.numpy as jnp
from jax import lax
from jax.experimental import pallas as pl
from jax.experimental.pallas import tpu as pltpu
from jax.experimental.pallas import tpu_sc as plsc

N = 10000
E = 160000
IN = 64
HID = 32
EDGE = 16
OUT = 128
G = 64

KP1 = EDGE + 1
KW = KP1 * HID

NC = 2
NS = 16
NW = NC * NS
M = 128
EP = 163840
ROWS = EP // M
RPW = ROWS // NW
EPW = EP // NW
SUB = 4
CH = SUB * M
NCH = RPW // SUB
NA = 10240
NPS = NA // NS

_MESH = dict(core_axis_name="c", subcore_axis_name="s")

_R_NP = np.zeros((KP1, KW), np.float32)
for _k in range(KP1):
    _R_NP[_k, _k * HID:(_k + 1) * HID] = 1.0
_S_NP = np.zeros((KW, HID), np.float32)
for _k in range(KP1):
    _S_NP[_k * HID + np.arange(HID), np.arange(HID)] = 1.0


def _sc_gather_body(x_hbm, src_hbm, xj_hbm, idx_v, rows_a, rows_b,
                    gsem, wsem_a, wsem_b):
    wid = lax.axis_index("s") * NC + lax.axis_index("c")
    row0 = wid * RPW
    base = wid * EPW
    pltpu.sync_copy(src_hbm.at[pl.ds(row0, RPW)], idx_v)
    bufs = ((rows_a, wsem_a), (rows_b, wsem_b))

    def step(c2, carry):
        for b in range(2):
            c = 2 * c2 + b
            buf, wsem = bufs[b]

            @pl.when(c2 > 0)
            def _():
                pltpu.make_async_copy(
                    buf, xj_hbm.at[pl.ds(base, CH)], wsem).wait()

            cps = []
            for j in range(SUB):
                cps.append(pltpu.async_copy(
                    x_hbm.at[idx_v.at[c * SUB + j]],
                    buf.at[pl.ds(j * M, M)], gsem))
            for cp in cps:
                cp.wait()
            pltpu.async_copy(buf, xj_hbm.at[pl.ds(base + c * CH, CH)], wsem)
        return carry

    lax.fori_loop(0, NCH // 2, step, 0)
    for b in range(2):
        buf, wsem = bufs[b]
        pltpu.make_async_copy(
            buf, xj_hbm.at[pl.ds(base, CH)], wsem).wait()


@functools.cache
def _make_sc_gather():
    return functools.partial(
        pl.kernel,
        mesh=plsc.VectorSubcoreMesh(**_MESH),
        out_type=jax.ShapeDtypeStruct((EP, IN), jnp.bfloat16),
        scratch_types=[
            pltpu.VMEM((RPW, M), jnp.int32),
            pltpu.VMEM((CH, IN), jnp.bfloat16),
            pltpu.VMEM((CH, IN), jnp.bfloat16),
            pltpu.SemaphoreType.DMA,
            pltpu.SemaphoreType.DMA,
            pltpu.SemaphoreType.DMA,
        ],
        compiler_params=pltpu.CompilerParams(use_tc_tiling_on_sc=False),
    )(_sc_gather_body)


def _sc_scatter_body(msg_hbm, dst_hbm, zeros_hbm, out_hbm,
                     idx_v, msg_v, buf_v, acc_sh, sem):
    cid = lax.axis_index("c")
    sid = lax.axis_index("s")
    wid = sid * NC + cid
    row0 = wid * RPW
    base = wid * EPW

    pltpu.sync_copy(zeros_hbm, buf_v)
    pltpu.sync_copy(buf_v, acc_sh.at[pl.ds(sid * NPS, NPS)])
    pltpu.sync_copy(dst_hbm.at[pl.ds(row0, RPW)], idx_v)
    plsc.subcore_barrier()

    def step(c, carry):
        pltpu.sync_copy(msg_hbm.at[pl.ds(base + c * CH, CH)], msg_v)
        for j in range(SUB):
            pltpu.sync_copy(msg_v.at[pl.ds(j * M, M)],
                            acc_sh.at[idx_v.at[c * SUB + j]], add=True)
        return carry

    lax.fori_loop(0, NCH, step, 0)
    plsc.subcore_barrier()

    pltpu.sync_copy(acc_sh.at[pl.ds(sid * NPS, NPS)], buf_v)
    pltpu.sync_copy(buf_v, out_hbm.at[pl.ds(cid * NA + sid * NPS, NPS)])


@functools.cache
def _make_sc_scatter():
    return functools.partial(
        pl.kernel,
        mesh=plsc.VectorSubcoreMesh(**_MESH),
        out_type=jax.ShapeDtypeStruct((NC * NA, HID), jnp.float32),
        scratch_types=[
            pltpu.VMEM((RPW, M), jnp.int32),
            pltpu.VMEM((CH, HID), jnp.float32),
            pltpu.VMEM((NPS, HID), jnp.float32),
            pltpu.VMEM_SHARED((NA, HID), jnp.float32),
            pltpu.SemaphoreType.DMA,
        ],
        compiler_params=pltpu.CompilerParams(use_tc_tiling_on_sc=False),
    )(_sc_scatter_body)


BE = 4096


def _msg_body(xj_ref, ea_ref, wf_ref, r_ref, out_ref):
    xj = xj_ref[...]
    ea = ea_ref[...]
    acc = None
    for g in range(4):
        tg = jnp.dot(xj, wf_ref[:, 128 * g:128 * (g + 1)],
                     preferred_element_type=jnp.float32)
        ug = jnp.dot(ea, r_ref[:, 128 * g:128 * (g + 1)],
                     preferred_element_type=jnp.float32)
        vg = tg * ug
        acc = vg if acc is None else acc + vg
    tb = jnp.dot(xj, wf_ref[:, 512:544], preferred_element_type=jnp.float32)
    ub = jnp.dot(ea, r_ref[:, 512:544], preferred_element_type=jnp.float32)
    b = acc[:, 0:64] + acc[:, 64:128]
    out_ref[...] = b[:, 0:32] + b[:, 32:64] + tb * ub


def _tc_msg(x_j, ea_aug, wfull, r_m):
    return pl.pallas_call(
        _msg_body,
        grid=(EP // BE,),
        in_specs=[
            pl.BlockSpec((BE, IN), lambda i: (i, 0)),
            pl.BlockSpec((BE, KP1), lambda i: (i, 0)),
            pl.BlockSpec((IN, KW), lambda i: (0, 0)),
            pl.BlockSpec((KP1, KW), lambda i: (0, 0)),
        ],
        out_specs=pl.BlockSpec((BE, HID), lambda i: (i, 0)),
        out_shape=jax.ShapeDtypeStruct((EP, HID), jnp.float32),
    )(x_j, ea_aug, wfull, r_m)


def _epi_body(p0_ref, p1_ref, x_ref, b_ref, root_ref, cb_ref, g_ref, be_ref,
              sw_ref, sb_ref, tw_ref, tb_ref, out_ref):
    h = (p0_ref[...] + p1_ref[...]
         + jnp.dot(x_ref[...], root_ref[...],
                   preferred_element_type=jnp.float32)
         + cb_ref[...])
    mean = jnp.mean(h, axis=0, keepdims=True)
    var = jnp.mean(jnp.square(h - mean), axis=0, keepdims=True)
    hn = (h - mean) * lax.rsqrt(var + 1e-5) * g_ref[...] + be_ref[...]
    hn = jnp.maximum(hn, 0.0)
    s_x = jnp.dot(hn, sw_ref[...],
                  preferred_element_type=jnp.float32) + sb_ref[...]
    t_x = jnp.dot(hn, tw_ref[...],
                  preferred_element_type=jnp.float32) + tb_ref[...]
    s_x = jnp.clip(s_x, -30.0, 30.0)
    f_x = jnp.tanh(t_x) / (1.0 + jnp.exp(s_x))
    gid = lax.broadcasted_iota(jnp.int32, (N, G), 1)
    mask = (b_ref[...] == gid).astype(jnp.float32)
    out_ref[...] = lax.dot_general(mask, f_x, (((0,), (0,)), ((), ())),
                                   preferred_element_type=jnp.float32)


def _tc_epilogue(p0, p1, x, batch2d, root, cb, gamma, beta, sw, sb, tw, tb):
    full = lambda s: pl.BlockSpec(s, lambda: (0,) * len(s))
    return pl.pallas_call(
        _epi_body,
        in_specs=[
            full((N, HID)), full((N, HID)), full((N, IN)), full((N, 1)),
            full((IN, HID)), full((1, HID)), full((1, HID)), full((1, HID)),
            full((HID, OUT)), full((1, OUT)), full((HID, OUT)),
            full((1, OUT)),
        ],
        out_specs=full((G, OUT)),
        out_shape=jax.ShapeDtypeStruct((G, OUT), jnp.float32),
    )(p0, p1, x, batch2d, root, cb, gamma, beta, sw, sb, tw, tb)


def kernel(x, edge_index, edge_attr, batch, edge_batch,
           nn_W, nn_b, root, conv_bias, bn_gamma, bn_beta,
           s_W, s_b, t_W, t_b):
    pad = EP - E
    src = jnp.concatenate(
        [edge_index[0].astype(jnp.int32), jnp.zeros((pad,), jnp.int32)]
    ).reshape(ROWS, M)
    dst = jnp.concatenate(
        [edge_index[1].astype(jnp.int32), jnp.full((pad,), N, jnp.int32)]
    ).reshape(ROWS, M)

    x_j = _make_sc_gather()(x.astype(jnp.bfloat16), src)

    ea_aug = jnp.concatenate(
        [edge_attr, jnp.ones((E, 1), jnp.float32)], axis=1)
    ea_aug = jnp.concatenate(
        [ea_aug, jnp.zeros((pad, KP1), jnp.float32)], axis=0
    ).astype(jnp.bfloat16)
    wfull = jnp.concatenate(
        [nn_W.reshape(IN, HID, EDGE).transpose(0, 2, 1).reshape(IN, EDGE * HID),
         nn_b.reshape(IN, HID)], axis=1)
    msg = _tc_msg(x_j, ea_aug, wfull.astype(jnp.bfloat16),
                  jnp.asarray(_R_NP, dtype=jnp.bfloat16))

    partials = _make_sc_scatter()(
        msg, dst, jnp.zeros((NPS, HID), jnp.float32))

    out = _tc_epilogue(
        partials[:N], partials[NA:NA + N], x,
        batch.astype(jnp.int32).reshape(N, 1),
        root, conv_bias.reshape(1, HID),
        bn_gamma.reshape(1, HID), bn_beta.reshape(1, HID),
        s_W.T, s_b.reshape(1, OUT), t_W.T, t_b.reshape(1, OUT))
    return out

# --- scband reference (transcript-rebuilt; emitter-appended) ---
"""Pipeline reference for scband-encoder-32504312496827 (READ-ONLY COPY).

The authoritative reference and input builder live on the scoring server;
editing this copy changes nothing except your own understanding.
"""

import jax, jax.numpy as jnp
import numpy as np

N = 10000      # nodes
E = 160000     # edges
IN = 64        # in_dim
HID = 32       # hidden_dims[0]
EDGE = 16      # edge_dim
OUT = 128      # out_dim
G = 64         # number of graphs in the batch


def setup_inputs(seed: int = 0) -> dict:
    key = jax.random.key(seed)
    ks = jax.random.split(key, 12)
    x = jax.random.normal(ks[0], (N, IN), dtype=jnp.float32)
    edge_index = jax.random.randint(ks[1], (2, E), 0, N)
    edge_attr = jax.random.normal(ks[2], (E, EDGE), dtype=jnp.float32)
    batch = jnp.sort(jax.random.randint(ks[3], (N,), 0, G))
    edge_batch = jnp.sort(jax.random.randint(ks[4], (E,), 0, G))
    # NNConv edge network: nn.Linear(EDGE, IN*HID)
    nn_W = jax.random.normal(ks[5], (IN * HID, EDGE), dtype=jnp.float32) * 0.05
    nn_b = jnp.zeros((IN * HID,), dtype=jnp.float32)
    # NNConv root weight and bias
    root = jax.random.normal(ks[6], (IN, HID), dtype=jnp.float32) * 0.05
    conv_bias = jnp.zeros((HID,), dtype=jnp.float32)
    # BatchNorm1d(HID) affine params (training-mode batch stats used in forward)
    bn_gamma = jnp.ones((HID,), dtype=jnp.float32)
    bn_beta = jnp.zeros((HID,), dtype=jnp.float32)
    # s_lin / t_lin: nn.Linear(HID, OUT)
    s_W = jax.random.normal(ks[7], (OUT, HID), dtype=jnp.float32) * 0.05
    s_b = jnp.zeros((OUT,), dtype=jnp.float32)
    t_W = jax.random.normal(ks[8], (OUT, HID), dtype=jnp.float32) * 0.05
    t_b = jnp.zeros((OUT,), dtype=jnp.float32)
    return {
        "x": x, "edge_index": edge_index, "edge_attr": edge_attr,
        "batch": batch, "edge_batch": edge_batch,
        "nn_W": nn_W, "nn_b": nn_b, "root": root, "conv_bias": conv_bias,
        "bn_gamma": bn_gamma, "bn_beta": bn_beta,
        "s_W": s_W, "s_b": s_b, "t_W": t_W, "t_b": t_b,
    }


def reference(x, edge_index, edge_attr, batch, edge_batch,
              nn_W, nn_b, root, conv_bias, bn_gamma, bn_beta,
              s_W, s_b, t_W, t_b):
    src = edge_index[0]
    dst = edge_index[1]
    # --- NNConv layer (aggr='add', root_weight=True, bias=True) ---
    # edge network -> per-edge weight matrix [E, IN, HID]
    w = (edge_attr @ nn_W.T + nn_b).reshape(E, IN, HID)
    x_j = jnp.take(x, src, axis=0)                 # gather source node feats [E, IN]
    msg = jnp.einsum('ei,eio->eo', x_j, w)         # per-edge message [E, HID]
    agg = jax.ops.segment_sum(msg, dst, num_segments=N)  # scatter-add to dst
    h = agg + x @ root + conv_bias                 # root weight + bias
    # --- BatchNorm1d (training mode: batch statistics, biased var, eps=1e-5) ---
    mean = jnp.mean(h, axis=0)
    var = jnp.var(h, axis=0)
    h = (h - mean) / jnp.sqrt(var + 1e-5) * bn_gamma + bn_beta
    # --- ReLU ---
    h = jax.nn.relu(h)
    # --- heads ---
    s_x = h @ s_W.T + s_b
    t_x = h @ t_W.T + t_b
    s_x = jnp.clip(s_x, -30.0, 30.0)
    f_x = 1.0 / (1.0 + jnp.exp(s_x)) * jnp.tanh(t_x)
    # --- global_add_pool over graph ids ---
    feature = jax.ops.segment_sum(f_x, batch, num_segments=G)
    return feature

if __name__ == "__main__":
    import jax
    _d = setup_inputs()
    print(jax.jit(kernel)(*tuple(_d.values())))

</pallas_src>

<mosaic_0001>
#map = affine_map<(d0, d1) -> (0, 0)>
module attributes {stable_mosaic.version = 14 : i64} {
  func.func @_sc_gather_body(%arg0: i32, %arg1: i32, %arg2: memref<10000x64xbf16, #tpu.memory_space<hbm>>, %arg3: memref<1280x128xi32, #tpu.memory_space<hbm>>, %arg4: memref<163840x64xbf16, #tpu.memory_space<hbm>>, %arg5: memref<40x128xi32, #tpu.memory_space<vmem>>, %arg6: memref<512x64xbf16, #tpu.memory_space<vmem>>, %arg7: memref<512x64xbf16, #tpu.memory_space<vmem>>, %arg8: memref<!tpu.dma_semaphore, #tpu.memory_space<semaphore_mem>>, %arg9: memref<!tpu.dma_semaphore, #tpu.memory_space<semaphore_mem>>, %arg10: memref<!tpu.dma_semaphore, #tpu.memory_space<semaphore_mem>>) attributes {dimension_semantics = [#tpu.dimension_semantics<core_parallel>, #tpu.dimension_semantics<subcore_parallel>], iteration_bounds = array<i64: 2, 16>, scalar_prefetch = 0 : i64, scratch_operands = 6 : i64, tpu.core_type = #tpu.core_type<sc_vector_subcore>, window_params = [{transform_indices = #map}, {transform_indices = #map}, {transform_indices = #map}]} {
    %mul3A = arith.constant 2 : i32
    %mul3A_0 = arith.muli %arg1, %mul3A : i32
    %add3A = arith.addi %mul3A_0, %arg0 : i32
    %mul3A_1 = arith.constant 40 : i32
    %mul3A_2 = arith.muli %add3A, %mul3A_1 : i32
    %mul3A_3 = arith.constant 5120 : i32
    %mul3A_4 = arith.muli %add3A, %mul3A_3 : i32
    "tpu.region"() ({
      %run_scoped3A = tpu.sem_alloc : memref<!tpu.dma_semaphore, #tpu.memory_space<semaphore_mem>>
      %dma_start3A = arith.constant 0 : i32
      %dma_start3A_17 = tpu.memref_slice %arg3[%mul3A_2, %dma_start3A] : memref<1280x128xi32, #tpu.memory_space<hbm>> -> memref<40x128xi32, #tpu.memory_space<hbm>>
      %dma_start3A_18 = arith.constant 0 : i32
      %dma_start3A_19 = tpu.memref_slice %arg3[%mul3A_2, %dma_start3A_18] : memref<1280x128xi32, #tpu.memory_space<hbm>> -> memref<40x128xi32, #tpu.memory_space<hbm>>
      tpu.enqueue_dma source(%dma_start3A_19 : memref<40x128xi32, #tpu.memory_space<hbm>>) target(%arg5 : memref<40x128xi32, #tpu.memory_space<vmem>>) target_semaphore(%run_scoped3A : memref<!tpu.dma_semaphore, #tpu.memory_space<semaphore_mem>>)
      %dma_wait3A_20 = arith.constant 0 : i32
      %dma_wait3A_21 = tpu.memref_slice %arg3[%mul3A_2, %dma_wait3A_20] : memref<1280x128xi32, #tpu.memory_space<hbm>> -> memref<40x128xi32, #tpu.memory_space<hbm>>
      %dma_wait3A_22 = arith.constant 0 : i32
      %dma_wait3A_23 = tpu.memref_slice %arg3[%mul3A_2, %dma_wait3A_22] : memref<1280x128xi32, #tpu.memory_space<hbm>> -> memref<40x128xi32, #tpu.memory_space<hbm>>
      tpu.wait_dma2 semaphore(%run_scoped3A : memref<!tpu.dma_semaphore, #tpu.memory_space<semaphore_mem>>) src(%dma_wait3A_23 : memref<40x128xi32, #tpu.memory_space<hbm>>) dst(%arg5 : memref<40x128xi32, #tpu.memory_space<vmem>>)
      tpu.yield
    }) : () -> ()
    %scan3A = arith.constant 0 : i32
    %scan3A_5 = arith.constant 0 : i32
    %scan3A_6 = arith.constant 5 : i32
    %scan3A_7 = arith.addi %scan3A_5, %scan3A_6 : i32
    %scan3A_8 = arith.constant 1 : i32
    scf.for %scan3A_17 = %scan3A_5 to %scan3A_7 step %scan3A_8  : i32 {
      %mul3A_18 = arith.constant 2 : i32
      %mul3A_19 = arith.muli %mul3A_18, %scan3A_17 : i32
      %add3A_20 = arith.constant 0 : i32
      %add3A_21 = arith.addi %mul3A_19, %add3A_20 : i32
      %gt3A = arith.constant 0 : i32
      %gt3A_22 = arith.cmpi sgt, %scan3A_17, %gt3A : i32
      %convert_element_type3A = arith.extui %gt3A_22 : i1 to i32
      %cond3A = arith.constant 0 : i32
      %cond3A_23 = arith.cmpi ne, %convert_element_type3A, %cond3A : i32
      scf.if %cond3A_23 {
        %dma_wait3A_222 = arith.constant 0 : i32
        %dma_wait3A_223 = tpu.memref_slice %arg4[%mul3A_4, %dma_wait3A_222] : memref<163840x64xbf16, #tpu.memory_space<hbm>> -> memref<512x64xbf16, #tpu.memory_space<hbm>>
        %dma_wait3A_224 = arith.constant 0 : i32
        %dma_wait3A_225 = tpu.memref_slice %arg4[%mul3A_4, %dma_wait3A_224] : memref<163840x64xbf16, #tpu.memory_space<hbm>> -> memref<512x64xbf16, #tpu.memory_space<hbm>>
        tpu.wait_dma2 semaphore(%arg9 : memref<!tpu.dma_semaphore, #tpu.memory_space<semaphore_mem>>) src(%arg6 : memref<512x64xbf16, #tpu.memory_space<vmem>>) dst(%dma_wait3A_225 : memref<512x64xbf16, #tpu.memory_space<hbm>>)
      } else {
      }
      %mul3A_24 = arith.constant 4 : i32
      %mul3A_25 = arith.muli %add3A_21, %mul3A_24 : i32
      %add3A_26 = arith.constant 0 : i32
      %add3A_27 = arith.addi %mul3A_25, %add3A_26 : i32
      %dma_start3A = arith.constant 0 : i32
      %dma_start3A_28 = arith.constant 0 : i32
      %dma_start3A_29 = tpu.memref_slice %arg6[%dma_start3A, %dma_start3A_28] : memref<512x64xbf16, #tpu.memory_space<vmem>> -> memref<128x64xbf16, #tpu.memory_space<vmem>>
      %dma_start3A_30 = arith.constant 0 : i32
      %dma_start3A_31 = tpu.memref_slice %arg5[%add3A_27, %dma_start3A_30] : memref<40x128xi32, #tpu.memory_space<vmem>> -> memref<1x128xi32, #tpu.memory_space<vmem>>
      %dma_start3A_32 = tpu.memref_squeeze %dma_start3A_31 : memref<1x128xi32, #tpu.memory_space<vmem>> -> memref<128xi32, #tpu.memory_space<vmem>>
      %dma_start3A_33 = arith.constant 0 : i32
      %dma_start3A_34 = arith.constant 0 : i32
      %dma_start3A_35 = tpu.memref_slice %arg2[%dma_start3A_33, %dma_start3A_34] : memref<10000x64xbf16, #tpu.memory_space<hbm>> -> memref<10000x64xbf16, #tpu.memory_space<hbm>>
      tpu.enqueue_indirect_dma source(%dma_start3A_35 : memref<10000x64xbf16, #tpu.memory_space<hbm>>) target(%dma_start3A_29 : memref<128x64xbf16, #tpu.memory_space<vmem>>) offsets(%dma_start3A_32 : memref<128xi32, #tpu.memory_space<vmem>>) semaphore(%arg8 : memref<!tpu.dma_semaphore, #tpu.memory_space<semaphore_mem>>)
      %mul3A_36 = arith.constant 4 : i32
      %mul3A_37 = arith.muli %add3A_21, %mul3A_36 : i32
      %add3A_38 = arith.constant 1 : i32
      %add3A_39 = arith.addi %mul3A_37, %add3A_38 : i32
      %dma_start3A_40 = arith.constant 128 : i32
      %dma_start3A_41 = arith.constant 0 : i32
      %dma_start3A_42 = tpu.memref_slice %arg6[%dma_start3A_40, %dma_start3A_41] : memref<512x64xbf16, #tpu.memory_space<vmem>> -> memref<128x64xbf16, #tpu.memory_space<vmem>>
      %dma_start3A_43 = arith.constant 0 : i32
      %dma_start3A_44 = tpu.memref_slice %arg5[%add3A_39, %dma_start3A_43] : memref<40x128xi32, #tpu.memory_space<vmem>> -> memref<1x128xi32, #tpu.memory_space<vmem>>
      %dma_start3A_45 = tpu.memref_squeeze %dma_start3A_44 : memref<1x128xi32, #tpu.memory_space<vmem>> -> memref<128xi32, #tpu.memory_space<vmem>>
      %dma_start3A_46 = arith.constant 0 : i32
      %dma_start3A_47 = arith.constant 0 : i32
      %dma_start3A_48 = tpu.memref_slice %arg2[%dma_start3A_46, %dma_start3A_47] : memref<10000x64xbf16, #tpu.memory_space<hbm>> -> memref<10000x64xbf16, #tpu.memory_space<hbm>>
      tpu.enqueue_indirect_dma source(%dma_start3A_48 : memref<10000x64xbf16, #tpu.memory_space<hbm>>) target(%dma_start3A_42 : memref<128x64xbf16, #tpu.memory_space<vmem>>) offsets(%dma_start3A_45 : memref<128xi32, #tpu.memory_space<vmem>>) semaphore(%arg8 : memref<!tpu.dma_semaphore, #tpu.memory_space<semaphore_mem>>)
      %mul3A_49 = arith.constant 4 : i32
      %mul3A_50 = arith.muli %add3A_21, %mul3A_49 : i32
      %add3A_51 = arith.constant 2 : i32
      %add3A_52 = arith.addi %mul3A_50, %add3A_51 : i32
      %dma_start3A_53 = arith.constant 256 : i32
      %dma_start3A_54 = arith.constant 0 : i32
      %dma_start3A_55 = tpu.memref_slice %arg6[%dma_start3A_53, %dma_start3A_54] : memref<512x64xbf16, #tpu.memory_space<vmem>> -> memref<128x64xbf16, #tpu.memory_space<vmem>>
      %dma_start3A_56 = arith.constant 0 : i32
      %dma_start3A_57 = tpu.memref_slice %arg5[%add3A_52, %dma_start3A_56] : memref<40x128xi32, #tpu.memory_space<vmem>> -> memref<1x128xi32, #tpu.memory_space<vmem>>
      %dma_start3A_58 = tpu.memref_squeeze %dma_start3A_57 : memref<1x128xi32, #tpu.memory_space<vmem>> -> memref<128xi32, #tpu.memory_space<vmem>>
      %dma_start3A_59 = arith.constant 0 : i32
      %dma_start3A_60 = arith.constant 0 : i32
      %dma_start3A_61 = tpu.memref_slice %arg2[%dma_start3A_59, %dma_start3A_60] : memref<10000x64xbf16, #tpu.memory_space<hbm>> -> memref<10000x64xbf16, #tpu.memory_space<hbm>>
      tpu.enqueue_indirect_dma source(%dma_start3A_61 : memref<10000x64xbf16, #tpu.memory_space<hbm>>) target(%dma_start3A_55 : memref<128x64xbf16, #tpu.memory_space<vmem>>) offsets(%dma_start3A_58 : memref<128xi32, #tpu.memory_space<vmem>>) semaphore(%arg8 : memref<!tpu.dma_semaphore, #tpu.memory_space<semaphore_mem>>)
      %mul3A_62 = arith.constant 4 : i32
      %mul3A_63 = arith.muli %add3A_21, %mul3A_62 : i32
      %add3A_64 = arith.constant 3 : i32
      %add3A_65 = arith.addi %mul3A_63, %add3A_64 : i32
      %dma_start3A_66 = arith.constant 384 : i32
      %dma_start3A_67 = arith.constant 0 : i32
      %dma_start3A_68 = tpu.memref_slice %arg6[%dma_start3A_66, %dma_start3A_67] : memref<512x64xbf16, #tpu.memory_space<vmem>> -> memref<128x64xbf16, #tpu.memory_space<vmem>>
      %dma_start3A_69 = arith.constant 0 : i32
      %dma_start3A_70 = tpu.memref_slice %arg5[%add3A_65, %dma_start3A_69] : memref<40x128xi32, #tpu.memory_space<vmem>> -> memref<1x128xi32, #tpu.memory_space<vmem>>
      %dma_start3A_71 = tpu.memref_squeeze %dma_start3A_70 : memref<1x128xi32, #tpu.memory_space<vmem>> -> memref<128xi32, #tpu.memory_space<vmem>>
      %dma_start3A_72 = arith.constant 0 : i32
      %dma_start3A_73 = arith.constant 0 : i32
      %dma_start3A_74 = tpu.memref_slice %arg2[%dma_start3A_72, %dma_start3A_73] : memref<10000x64xbf16, #tpu.memory_space<hbm>> -> memref<10000x64xbf16, #tpu.memory_space<hbm>>
      tpu.enqueue_indirect_dma source(%dma_start3A_74 : memref<10000x64xbf16, #tpu.memory_space<hbm>>) target(%dma_start3A_68 : memref<128x64xbf16, #tpu.memory_space<vmem>>) offsets(%dma_start3A_71 : memref<128xi32, #tpu.memory_space<vmem>>) semaphore(%arg8 : memref<!tpu.dma_semaphore, #tpu.memory_space<semaphore_mem>>)
      %dma_wait3A_75 = arith.constant 0 : i32
      %dma_wait3A_76 = arith.constant 0 : i32
      %dma_wait3A_77 = tpu.memref_slice %arg6[%dma_wait3A_75, %dma_wait3A_76] : memref<512x64xbf16, #tpu.memory_space<vmem>> -> memref<128x64xbf16, #tpu.memory_space<vmem>>
      %dma_wait3A_78 = arith.constant 0 : i32
      %dma_wait3A_79 = tpu.memref_slice %arg5[%add3A_27, %dma_wait3A_78] : memref<40x128xi32, #tpu.memory_space<vmem>> -> memref<1x128xi32, #tpu.memory_space<vmem>>
      %dma_wait3A_80 = tpu.memref_squeeze %dma_wait3A_79 : memref<1x128xi32, #tpu.memory_space<vmem>> -> memref<128xi32, #tpu.memory_space<vmem>>
      %dma_wait3A_81 = arith.constant 0 : i32
      %dma_wait3A_82 = arith.constant 0 : i32
      %dma_wait3A_83 = tpu.memref_slice %arg2[%dma_wait3A_81, %dma_wait3A_82] : memref<10000x64xbf16, #tpu.memory_space<hbm>> -> memref<10000x64xbf16, #tpu.memory_space<hbm>>
      tpu.wait_indirect_dma semaphore(%arg8 : memref<!tpu.dma_semaphore, #tpu.memory_space<semaphore_mem>>) src(%dma_wait3A_83 : memref<10000x64xbf16, #tpu.memory_space<hbm>>) dst(%dma_wait3A_77 : memref<128x64xbf16, #tpu.memory_space<vmem>>)
      %dma_wait3A_84 = arith.constant 128 : i32
      %dma_wait3A_85 = arith.constant 0 : i32
      %dma_wait3A_86 = tpu.memref_slice %arg6[%dma_wait3A_84, %dma_wait3A_85] : memref<512x64xbf16, #tpu.memory_space<vmem>> -> memref<128x64xbf16, #tpu.memory_space<vmem>>
      %dma_wait3A_87 = arith.constant 0 : i32
      %dma_wait3A_88 = tpu.memref_slice %arg5[%add3A_39, %dma_wait3A_87] : memref<40x128xi32, #tpu.memory_space<vmem>> -> memref<1x128xi32, #tpu.memory_space<vmem>>
      %dma_wait3A_89 = tpu.memref_squeeze %dma_wait3A_88 : memref<1x128xi32, #tpu.memory_space<vmem>> -> memref<128xi32, #tpu.memory_space<vmem>>
      %dma_wait3A_90 = arith.constant 0 : i32
      %dma_wait3A_91 = arith.constant 0 : i32
      %dma_wait3A_92 = tpu.memref_slice %arg2[%dma_wait3A_90, %dma_wait3A_91] : memref<10000x64xbf16, #tpu.memory_space<hbm>> -> memref<10000x64xbf16, #tpu.memory_space<hbm>>
      tpu.wait_indirect_dma semaphore(%arg8 : memref<!tpu.dma_semaphore, #tpu.memory_space<semaphore_mem>>) src(%dma_wait3A_92 : memref<10000x64xbf16, #tpu.memory_space<hbm>>) dst(%dma_wait3A_86 : memref<128x64xbf16, #tpu.memory_space<vmem>>)
      %dma_wait3A_93 = arith.constant 256 : i32
      %dma_wait3A_94 = arith.constant 0 : i32
      %dma_wait3A_95 = tpu.memref_slice %arg6[%dma_wait3A_93, %dma_wait3A_94] : memref<512x64xbf16, #tpu.memory_space<vmem>> -> memref<128x64xbf16, #tpu.memory_space<vmem>>
      %dma_wait3A_96 = arith.constant 0 : i32
      %dma_wait3A_97 = tpu.memref_slice %arg5[%add3A_52, %dma_wait3A_96] : memref<40x128xi32, #tpu.memory_space<vmem>> -> memref<1x128xi32, #tpu.memory_space<vmem>>
      %dma_wait3A_98 = tpu.memref_squeeze %dma_wait3A_97 : memref<1x128xi32, #tpu.memory_space<vmem>> -> memref<128xi32, #tpu.memory_space<vmem>>
      %dma_wait3A_99 = arith.constant 0 : i32
      %dma_wait3A_100 = arith.constant 0 : i32
      %dma_wait3A_101 = tpu.memref_slice %arg2[%dma_wait3A_99, %dma_wait3A_100] : memref<10000x64xbf16, #tpu.memory_space<hbm>> -> memref<10000x64xbf16, #tpu.memory_space<hbm>>
      tpu.wait_indirect_dma semaphore(%arg8 : memref<!tpu.dma_semaphore, #tpu.memory_space<semaphore_mem>>) src(%dma_wait3A_101 : memref<10000x64xbf16, #tpu.memory_space<hbm>>) dst(%dma_wait3A_95 : memref<128x64xbf16, #tpu.memory_space<vmem>>)
      %dma_wait3A_102 = arith.constant 384 : i32
      %dma_wait3A_103 = arith.constant 0 : i32
      %dma_wait3A_104 = tpu.memref_slice %arg6[%dma_wait3A_102, %dma_wait3A_103] : memref<512x64xbf16, #tpu.memory_space<vmem>> -> memref<128x64xbf16, #tpu.memory_space<vmem>>
      %dma_wait3A_105 = arith.constant 0 : i32
      %dma_wait3A_106 = tpu.memref_slice %arg5[%add3A_65, %dma_wait3A_105] : memref<40x128xi32, #tpu.memory_space<vmem>> -> memref<1x128xi32, #tpu.memory_space<vmem>>
      %dma_wait3A_107 = tpu.memref_squeeze %dma_wait3A_106 : memref<1x128xi32, #tpu.memory_space<vmem>> -> memref<128xi32, #tpu.memory_space<vmem>>
      %dma_wait3A_108 = arith.constant 0 : i32
      %dma_wait3A_109 = arith.constant 0 : i32
      %dma_wait3A_110 = tpu.memref_slice %arg2[%dma_wait3A_108, %dma_wait3A_109] : memref<10000x64xbf16, #tpu.memory_space<hbm>> -> memref<10000x64xbf16, #tpu.memory_space<hbm>>
      tpu.wait_indirect_dma semaphore(%arg8 : memref<!tpu.dma_semaphore, #tpu.memory_space<semaphore_mem>>) src(%dma_wait3A_110 : memref<10000x64xbf16, #tpu.memory_space<hbm>>) dst(%dma_wait3A_104 : memref<128x64xbf16, #tpu.memory_space<vmem>>)
      %mul3A_111 = arith.constant 512 : i32
      %mul3A_112 = arith.muli %add3A_21, %mul3A_111 : i32
      %add3A_113 = arith.addi %mul3A_4, %mul3A_112 : i32
      %dma_start3A_114 = arith.constant 0 : i32
      %dma_start3A_115 = tpu.memref_slice %arg4[%add3A_113, %dma_start3A_114] : memref<163840x64xbf16, #tpu.memory_space<hbm>> -> memref<512x64xbf16, #tpu.memory_space<hbm>>
      %dma_start3A_116 = arith.constant 0 : i32
      %dma_start3A_117 = tpu.memref_slice %arg4[%add3A_113, %dma_start3A_116] : memref<163840x64xbf16, #tpu.memory_space<hbm>> -> memref<512x64xbf16, #tpu.memory_space<hbm>>
      tpu.enqueue_dma source(%arg6 : memref<512x64xbf16, #tpu.memory_space<vmem>>) target(%dma_start3A_117 : memref<512x64xbf16, #tpu.memory_space<hbm>>) target_semaphore(%arg9 : memref<!tpu.dma_semaphore, #tpu.memory_space<semaphore_mem>>)
      %mul3A_118 = arith.constant 2 : i32
      %mul3A_119 = arith.muli %mul3A_118, %scan3A_17 : i32
      %add3A_120 = arith.constant 1 : i32
      %add3A_121 = arith.addi %mul3A_119, %add3A_120 : i32
      %gt3A_122 = arith.constant 0 : i32
      %gt3A_123 = arith.cmpi sgt, %scan3A_17, %gt3A_122 : i32
      %convert_element_type3A_124 = arith.extui %gt3A_123 : i1 to i32
      %cond3A_125 = arith.constant 0 : i32
      %cond3A_126 = arith.cmpi ne, %convert_element_type3A_124, %cond3A_125 : i32
      scf.if %cond3A_126 {
        %dma_wait3A_222 = arith.constant 0 : i32
        %dma_wait3A_223 = tpu.memref_slice %arg4[%mul3A_4, %dma_wait3A_222] : memref<163840x64xbf16, #tpu.memory_space<hbm>> -> memref<512x64xbf16, #tpu.memory_space<hbm>>
        %dma_wait3A_224 = arith.constant 0 : i32
        %dma_wait3A_225 = tpu.memref_slice %arg4[%mul3A_4, %dma_wait3A_224] : memref<163840x64xbf16, #tpu.memory_space<hbm>> -> memref<512x64xbf16, #tpu.memory_space<hbm>>
        tpu.wait_dma2 semaphore(%arg10 : memref<!tpu.dma_semaphore, #tpu.memory_space<semaphore_mem>>) src(%arg7 : memref<512x64xbf16, #tpu.memory_space<vmem>>) dst(%dma_wait3A_225 : memref<512x64xbf16, #tpu.memory_space<hbm>>)
      } else {
      }
      %mul3A_127 = arith.constant 4 : i32
      %mul3A_128 = arith.muli %add3A_121, %mul3A_127 : i32
      %add3A_129 = arith.constant 0 : i32
      %add3A_130 = arith.addi %mul3A_128, %add3A_129 : i32
      %dma_start3A_131 = arith.constant 0 : i32
      %dma_start3A_132 = arith.constant 0 : i32
      %dma_start3A_133 = tpu.memref_slice %arg7[%dma_start3A_131, %dma_start3A_132] : memref<512x64xbf16, #tpu.memory_space<vmem>> -> memref<128x64xbf16, #tpu.memory_space<vmem>>
      %dma_start3A_134 = arith.constant 0 : i32
      %dma_start3A_135 = tpu.memref_slice %arg5[%add3A_130, %dma_start3A_134] : memref<40x128xi32, #tpu.memory_space<vmem>> -> memref<1x128xi32, #tpu.memory_space<vmem>>
      %dma_start3A_136 = tpu.memref_squeeze %dma_start3A_135 : memref<1x128xi32, #tpu.memory_space<vmem>> -> memref<128xi32, #tpu.memory_space<vmem>>
      %dma_start3A_137 = arith.constant 0 : i32
      %dma_start3A_138 = arith.constant 0 : i32
      %dma_start3A_139 = tpu.memref_slice %arg2[%dma_start3A_137, %dma_start3A_138] : memref<10000x64xbf16, #tpu.memory_space<hbm>> -> memref<10000x64xbf16, #tpu.memory_space<hbm>>
      tpu.enqueue_indirect_dma source(%dma_start3A_139 : memref<10000x64xbf16, #tpu.memory_space<hbm>>) target(%dma_start3A_133 : memref<128x64xbf16, #tpu.memory_space<vmem>>) offsets(%dma_start3A_136 : memref<128xi32, #tpu.memory_space<vmem>>) semaphore(%arg8 : memref<!tpu.dma_semaphore, #tpu.memory_space<semaphore_mem>>)
      %mul3A_140 = arith.constant 4 : i32
      %mul3A_141 = arith.muli %add3A_121, %mul3A_140 : i32
      %add3A_142 = arith.constant 1 : i32
      %add3A_143 = arith.addi %mul3A_141, %add3A_142 : i32
      %dma_start3A_144 = arith.constant 128 : i32
      %dma_start3A_145 = arith.constant 0 : i32
      %dma_start3A_146 = tpu.memref_slice %arg7[%dma_start3A_144, %dma_start3A_145] : memref<512x64xbf16, #tpu.memory_space<vmem>> -> memref<128x64xbf16, #tpu.memory_space<vmem>>
      %dma_start3A_147 = arith.constant 0 : i32
      %dma_start3A_148 = tpu.memref_slice %arg5[%add3A_143, %dma_start3A_147] : memref<40x128xi32, #tpu.memory_space<vmem>> -> memref<1x128xi32, #tpu.memory_space<vmem>>
      %dma_start3A_149 = tpu.memref_squeeze %dma_start3A_148 : memref<1x128xi32, #tpu.memory_space<vmem>> -> memref<128xi32, #tpu.memory_space<vmem>>
      %dma_start3A_150 = arith.constant 0 : i32
      %dma_start3A_151 = arith.constant 0 : i32
      %dma_start3A_152 = tpu.memref_slice %arg2[%dma_start3A_150, %dma_start3A_151] : memref<10000x64xbf16, #tpu.memory_space<hbm>> -> memref<10000x64xbf16, #tpu.memory_space<hbm>>
      tpu.enqueue_indirect_dma source(%dma_start3A_152 : memref<10000x64xbf16, #tpu.memory_space<hbm>>) target(%dma_start3A_146 : memref<128x64xbf16, #tpu.memory_space<vmem>>) offsets(%dma_start3A_149 : memref<128xi32, #tpu.memory_space<vmem>>) semaphore(%arg8 : memref<!tpu.dma_semaphore, #tpu.memory_space<semaphore_mem>>)
      %mul3A_153 = arith.constant 4 : i32
      %mul3A_154 = arith.muli %add3A_121, %mul3A_153 : i32
      %add3A_155 = arith.constant 2 : i32
      %add3A_156 = arith.addi %mul3A_154, %add3A_155 : i32
      %dma_start3A_157 = arith.constant 256 : i32
      %dma_start3A_158 = arith.constant 0 : i32
      %dma_start3A_159 = tpu.memref_slice %arg7[%dma_start3A_157, %dma_start3A_158] : memref<512x64xbf16, #tpu.memory_space<vmem>> -> memref<128x64xbf16, #tpu.memory_space<vmem>>
      %dma_start3A_160 = arith.constant 0 : i32
      %dma_start3A_161 = tpu.memref_slice %arg5[%add3A_156, %dma_start3A_160] : memref<40x128xi32, #tpu.memory_space<vmem>> -> memref<1x128xi32, #tpu.memory_space<vmem>>
      %dma_start3A_162 = tpu.memref_squeeze %dma_start3A_161 : memref<1x128xi32, #tpu.memory_space<vmem>> -> memref<128xi32, #tpu.memory_space<vmem>>
      %dma_start3A_163 = arith.constant 0 : i32
      %dma_start3A_164 = arith.constant 0 : i32
      %dma_start3A_165 = tpu.memref_slice %arg2[%dma_start3A_163, %dma_start3A_164] : memref<10000x64xbf16, #tpu.memory_space<hbm>> -> memref<10000x64xbf16, #tpu.memory_space<hbm>>
      tpu.enqueue_indirect_dma source(%dma_start3A_165 : memref<10000x64xbf16, #tpu.memory_space<hbm>>) target(%dma_start3A_159 : memref<128x64xbf16, #tpu.memory_space<vmem>>) offsets(%dma_start3A_162 : memref<128xi32, #tpu.memory_space<vmem>>) semaphore(%arg8 : memref<!tpu.dma_semaphore, #tpu.memory_space<semaphore_mem>>)
      %mul3A_166 = arith.constant 4 : i32
      %mul3A_167 = arith.muli %add3A_121, %mul3A_166 : i32
      %add3A_168 = arith.constant 3 : i32
      %add3A_169 = arith.addi %mul3A_167, %add3A_168 : i32
      %dma_start3A_170 = arith.constant 384 : i32
      %dma_start3A_171 = arith.constant 0 : i32
      %dma_start3A_172 = tpu.memref_slice %arg7[%dma_start3A_170, %dma_start3A_171] : memref<512x64xbf16, #tpu.memory_space<vmem>> -> memref<128x64xbf16, #tpu.memory_space<vmem>>
      %dma_start3A_173 = arith.constant 0 : i32
      %dma_start3A_174 = tpu.memref_slice %arg5[%add3A_169, %dma_start3A_173] : memref<40x128xi32, #tpu.memory_space<vmem>> -> memref<1x128xi32, #tpu.memory_space<vmem>>
      %dma_start3A_175 = tpu.memref_squeeze %dma_start3A_174 : memref<1x128xi32, #tpu.memory_space<vmem>> -> memref<128xi32, #tpu.memory_space<vmem>>
      %dma_start3A_176 = arith.constant 0 : i32
      %dma_start3A_177 = arith.constant 0 : i32
      %dma_start3A_178 = tpu.memref_slice %arg2[%dma_start3A_176, %dma_start3A_177] : memref<10000x64xbf16, #tpu.memory_space<hbm>> -> memref<10000x64xbf16, #tpu.memory_space<hbm>>
      tpu.enqueue_indirect_dma source(%dma_start3A_178 : memref<10000x64xbf16, #tpu.memory_space<hbm>>) target(%dma_start3A_172 : memref<128x64xbf16, #tpu.memory_space<vmem>>) offsets(%dma_start3A_175 : memref<128xi32, #tpu.memory_space<vmem>>) semaphore(%arg8 : memref<!tpu.dma_semaphore, #tpu.memory_space<semaphore_mem>>)
      %dma_wait3A_179 = arith.constant 0 : i32
      %dma_wait3A_180 = arith.constant 0 : i32
      %dma_wait3A_181 = tpu.memref_slice %arg7[%dma_wait3A_179, %dma_wait3A_180] : memref<512x64xbf16, #tpu.memory_space<vmem>> -> memref<128x64xbf16, #tpu.memory_space<vmem>>
      %dma_wait3A_182 = arith.constant 0 : i32
      %dma_wait3A_183 = tpu.memref_slice %arg5[%add3A_130, %dma_wait3A_182] : memref<40x128xi32, #tpu.memory_space<vmem>> -> memref<1x128xi32, #tpu.memory_space<vmem>>
      %dma_wait3A_184 = tpu.memref_squeeze %dma_wait3A_183 : memref<1x128xi32, #tpu.memory_space<vmem>> -> memref<128xi32, #tpu.memory_space<vmem>>
      %dma_wait3A_185 = arith.constant 0 : i32
      %dma_wait3A_186 = arith.constant 0 : i32
      %dma_wait3A_187 = tpu.memref_slice %arg2[%dma_wait3A_185, %dma_wait3A_186] : memref<10000x64xbf16, #tpu.memory_space<hbm>> -> memref<10000x64xbf16, #tpu.memory_space<hbm>>
      tpu.wait_indirect_dma semaphore(%arg8 : memref<!tpu.dma_semaphore, #tpu.memory_space<semaphore_mem>>) src(%dma_wait3A_187 : memref<10000x64xbf16, #tpu.memory_space<hbm>>) dst(%dma_wait3A_181 : memref<128x64xbf16, #tpu.memory_space<vmem>>)
      %dma_wait3A_188 = arith.constant 128 : i32
      %dma_wait3A_189 = arith.constant 0 : i32
      %dma_wait3A_190 = tpu.memref_slice %arg7[%dma_wait3A_188, %dma_wait3A_189] : memref<512x64xbf16, #tpu.memory_space<vmem>> -> memref<128x64xbf16, #tpu.memory_space<vmem>>
      %dma_wait3A_191 = arith.constant 0 : i32
      %dma_wait3A_192 = tpu.memref_slice %arg5[%add3A_143, %dma_wait3A_191] : memref<40x128xi32, #tpu.memory_space<vmem>> -> memref<1x128xi32, #tpu.memory_space<vmem>>
      %dma_wait3A_193 = tpu.memref_squeeze %dma_wait3A_192 : memref<1x128xi32, #tpu.memory_space<vmem>> -> memref<128xi32, #tpu.memory_space<vmem>>
      %dma_wait3A_194 = arith.constant 0 : i32
      %dma_wait3A_195 = arith.constant 0 : i32
      %dma_wait3A_196 = tpu.memref_slice %arg2[%dma_wait3A_194, %dma_wait3A_195] : memref<10000x64xbf16, #tpu.memory_space<hbm>> -> memref<10000x64xbf16, #tpu.memory_space<hbm>>
      tpu.wait_indirect_dma semaphore(%arg8 : memref<!tpu.dma_semaphore, #tpu.memory_space<semaphore_mem>>) src(%dma_wait3A_196 : memref<10000x64xbf16, #tpu.memory_space<hbm>>) dst(%dma_wait3A_190 : memref<128x64xbf16, #tpu.memory_space<vmem>>)
      %dma_wait3A_197 = arith.constant 256 : i32
      %dma_wait3A_198 = arith.constant 0 : i32
      %dma_wait3A_199 = tpu.memref_slice %arg7[%dma_wait3A_197, %dma_wait3A_198] : memref<512x64xbf16, #tpu.memory_space<vmem>> -> memref<128x64xbf16, #tpu.memory_space<vmem>>
      %dma_wait3A_200 = arith.constant 0 : i32
      %dma_wait3A_201 = tpu.memref_slice %arg5[%add3A_156, %dma_wait3A_200] : memref<40x128xi32, #tpu.memory_space<vmem>> -> memref<1x128xi32, #tpu.memory_space<vmem>>
      %dma_wait3A_202 = tpu.memref_squeeze %dma_wait3A_201 : memref<1x128xi32, #tpu.memory_space<vmem>> -> memref<128xi32, #tpu.memory_space<vmem>>
      %dma_wait3A_203 = arith.constant 0 : i32
      %dma_wait3A_204 = arith.constant 0 : i32
      %dma_wait3A_205 = tpu.memref_slice %arg2[%dma_wait3A_203, %dma_wait3A_204] : memref<10000x64xbf16, #tpu.memory_space<hbm>> -> memref<10000x64xbf16, #tpu.memory_space<hbm>>
      tpu.wait_indirect_dma semaphore(%arg8 : memref<!tpu.dma_semaphore, #tpu.memory_space<semaphore_mem>>) src(%dma_wait3A_205 : memref<10000x64xbf16, #tpu.memory_space<hbm>>) dst(%dma_wait3A_199 : memref<128x64xbf16, #tpu.memory_space<vmem>>)
      %dma_wait3A_206 = arith.constant 384 : i32
      %dma_wait3A_207 = arith.constant 0 : i32
      %dma_wait3A_208 = tpu.memref_slice %arg7[%dma_wait3A_206, %dma_wait3A_207] : memref<512x64xbf16, #tpu.memory_space<vmem>> -> memref<128x64xbf16, #tpu.memory_space<vmem>>
      %dma_wait3A_209 = arith.constant 0 : i32
      %dma_wait3A_210 = tpu.memref_slice %arg5[%add3A_169, %dma_wait3A_209] : memref<40x128xi32, #tpu.memory_space<vmem>> -> memref<1x128xi32, #tpu.memory_space<vmem>>
      %dma_wait3A_211 = tpu.memref_squeeze %dma_wait3A_210 : memref<1x128xi32, #tpu.memory_space<vmem>> -> memref<128xi32, #tpu.memory_space<vmem>>
      %dma_wait3A_212 = arith.constant 0 : i32
      %dma_wait3A_213 = arith.constant 0 : i32
      %dma_wait3A_214 = tpu.memref_slice %arg2[%dma_wait3A_212, %dma_wait3A_213] : memref<10000x64xbf16, #tpu.memory_space<hbm>> -> memref<10000x64xbf16, #tpu.memory_space<hbm>>
      tpu.wait_indirect_dma semaphore(%arg8 : memref<!tpu.dma_semaphore, #tpu.memory_space<semaphore_mem>>) src(%dma_wait3A_214 : memref<10000x64xbf16, #tpu.memory_space<hbm>>) dst(%dma_wait3A_208 : memref<128x64xbf16, #tpu.memory_space<vmem>>)
      %mul3A_215 = arith.constant 512 : i32
      %mul3A_216 = arith.muli %add3A_121, %mul3A_215 : i32
      %add3A_217 = arith.addi %mul3A_4, %mul3A_216 : i32
      %dma_start3A_218 = arith.constant 0 : i32
      %dma_start3A_219 = tpu.memref_slice %arg4[%add3A_217, %dma_start3A_218] : memref<163840x64xbf16, #tpu.memory_space<hbm>> -> memref<512x64xbf16, #tpu.memory_space<hbm>>
      %dma_start3A_220 = arith.constant 0 : i32
      %dma_start3A_221 = tpu.memref_slice %arg4[%add3A_217, %dma_start3A_220] : memref<163840x64xbf16, #tpu.memory_space<hbm>> -> memref<512x64xbf16, #tpu.memory_space<hbm>>
      tpu.enqueue_dma source(%arg7 : memref<512x64xbf16, #tpu.memory_space<vmem>>) target(%dma_start3A_221 : memref<512x64xbf16, #tpu.memory_space<hbm>>) target_semaphore(%arg10 : memref<!tpu.dma_semaphore, #tpu.memory_space<semaphore_mem>>)
    }
    %scan3A_9 = arith.constant 5 : i32
    %dma_wait3A = arith.constant 0 : i32
    %dma_wait3A_10 = tpu.memref_slice %arg4[%mul3A_4, %dma_wait3A] : memref<163840x64xbf16, #tpu.memory_space<hbm>> -> memref<512x64xbf16, #tpu.memory_space<hbm>>
    %dma_wait3A_11 = arith.constant 0 : i32
    %dma_wait3A_12 = tpu.memref_slice %arg4[%mul3A_4, %dma_wait3A_11] : memref<163840x64xbf16, #tpu.memory_space<hbm>> -> memref<512x64xbf16, #tpu.memory_space<hbm>>
    tpu.wait_dma2 semaphore(%arg9 : memref<!tpu.dma_semaphore, #tpu.memory_space<semaphore_mem>>) src(%arg6 : memref<512x64xbf16, #tpu.memory_space<vmem>>) dst(%dma_wait3A_12 : memref<512x64xbf16, #tpu.memory_space<hbm>>)
    %dma_wait3A_13 = arith.constant 0 : i32
    %dma_wait3A_14 = tpu.memref_slice %arg4[%mul3A_4, %dma_wait3A_13] : memref<163840x64xbf16, #tpu.memory_space<hbm>> -> memref<512x64xbf16, #tpu.memory_space<hbm>>
    %dma_wait3A_15 = arith.constant 0 : i32
    %dma_wait3A_16 = tpu.memref_slice %arg4[%mul3A_4, %dma_wait3A_15] : memref<163840x64xbf16, #tpu.memory_space<hbm>> -> memref<512x64xbf16, #tpu.memory_space<hbm>>
    tpu.wait_dma2 semaphore(%arg10 : memref<!tpu.dma_semaphore, #tpu.memory_space<semaphore_mem>>) src(%arg7 : memref<512x64xbf16, #tpu.memory_space<vmem>>) dst(%dma_wait3A_16 : memref<512x64xbf16, #tpu.memory_space<hbm>>)
    return
  }
}

#map = affine_map<(d0, d1) -> (0, 0)>
module attributes {stable_mosaic.version = 14 : i64} {
  func.func @_sc_scatter_body(%arg0: i32, %arg1: i32, %arg2: memref<163840x32xf32, #tpu.memory_space<hbm>>, %arg3: memref<1280x128xi32, #tpu.memory_space<hbm>>, %arg4: memref<640x32xf32, #tpu.memory_space<hbm>>, %arg5: memref<20480x32xf32, #tpu.memory_space<hbm>>, %arg6: memref<40x128xi32, #tpu.memory_space<vmem>>, %arg7: memref<512x32xf32, #tpu.memory_space<vmem>>, %arg8: memref<640x32xf32, #tpu.memory_space<vmem>>, %arg9: memref<10240x32xf32, #tpu.memory_space<vmem_shared>>, %arg10: memref<!tpu.dma_semaphore, #tpu.memory_space<semaphore_mem>>) attributes {dimension_semantics = [#tpu.dimension_semantics<core_parallel>, #tpu.dimension_semantics<subcore_parallel>], iteration_bounds = array<i64: 2, 16>, scalar_prefetch = 0 : i64, scratch_operands = 5 : i64, tpu.core_type = #tpu.core_type<sc_vector_subcore>, window_params = [{transform_indices = #map}, {transform_indices = #map}, {transform_indices = #map}, {transform_indices = #map}]} {
    %mul3A = arith.constant 2 : i32
    %mul3A_0 = arith.muli %arg1, %mul3A : i32
    %add3A = arith.addi %mul3A_0, %arg0 : i32
    %mul3A_1 = arith.constant 40 : i32
    %mul3A_2 = arith.muli %add3A, %mul3A_1 : i32
    %mul3A_3 = arith.constant 5120 : i32
    %mul3A_4 = arith.muli %add3A, %mul3A_3 : i32
    "tpu.region"() ({
      %run_scoped3A = tpu.sem_alloc : memref<!tpu.dma_semaphore, #tpu.memory_space<semaphore_mem>>
      tpu.enqueue_dma source(%arg4 : memref<640x32xf32, #tpu.memory_space<hbm>>) target(%arg8 : memref<640x32xf32, #tpu.memory_space<vmem>>) target_semaphore(%run_scoped3A : memref<!tpu.dma_semaphore, #tpu.memory_space<semaphore_mem>>)
      tpu.wait_dma2 semaphore(%run_scoped3A : memref<!tpu.dma_semaphore, #tpu.memory_space<semaphore_mem>>) src(%arg4 : memref<640x32xf32, #tpu.memory_space<hbm>>) dst(%arg8 : memref<640x32xf32, #tpu.memory_space<vmem>>)
      tpu.yield
    }) : () -> ()
    %mul3A_5 = arith.constant 640 : i32
    %mul3A_6 = arith.muli %arg1, %mul3A_5 : i32
    "tpu.region"() ({
      %run_scoped3A = tpu.sem_alloc : memref<!tpu.dma_semaphore, #tpu.memory_space<semaphore_mem>>
      %dma_start3A = arith.constant 0 : i32
      %dma_start3A_20 = tpu.memref_slice %arg9[%mul3A_6, %dma_start3A] : memref<10240x32xf32, #tpu.memory_space<vmem_shared>> -> memref<640x32xf32, #tpu.memory_space<vmem_shared>>
      %dma_start3A_21 = arith.constant 0 : i32
      %dma_start3A_22 = tpu.memref_slice %arg9[%mul3A_6, %dma_start3A_21] : memref<10240x32xf32, #tpu.memory_space<vmem_shared>> -> memref<640x32xf32, #tpu.memory_space<vmem_shared>>
      tpu.enqueue_dma source(%arg8 : memref<640x32xf32, #tpu.memory_space<vmem>>) target(%dma_start3A_22 : memref<640x32xf32, #tpu.memory_space<vmem_shared>>) target_semaphore(%run_scoped3A : memref<!tpu.dma_semaphore, #tpu.memory_space<semaphore_mem>>)
      %dma_wait3A = arith.constant 0 : i32
      %dma_wait3A_23 = tpu.memref_slice %arg9[%mul3A_6, %dma_wait3A] : memref<10240x32xf32, #tpu.memory_space<vmem_shared>> -> memref<640x32xf32, #tpu.memory_space<vmem_shared>>
      %dma_wait3A_24 = arith.constant 0 : i32
      %dma_wait3A_25 = tpu.memref_slice %arg9[%mul3A_6, %dma_wait3A_24] : memref<10240x32xf32, #tpu.memory_space<vmem_shared>> -> memref<640x32xf32, #tpu.memory_space<vmem_shared>>
      tpu.wait_dma2 semaphore(%run_scoped3A : memref<!tpu.dma_semaphore, #tpu.memory_space<semaphore_mem>>) src(%arg8 : memref<640x32xf32, #tpu.memory_space<vmem>>) dst(%dma_wait3A_25 : memref<640x32xf32, #tpu.memory_space<vmem_shared>>)
      tpu.yield
    }) : () -> ()
    "tpu.region"() ({
      %run_scoped3A = tpu.sem_alloc : memref<!tpu.dma_semaphore, #tpu.memory_space<semaphore_mem>>
      %dma_start3A = arith.constant 0 : i32
      %dma_start3A_20 = tpu.memref_slice %arg3[%mul3A_2, %dma_start3A] : memref<1280x128xi32, #tpu.memory_space<hbm>> -> memref<40x128xi32, #tpu.memory_space<hbm>>
      %dma_start3A_21 = arith.constant 0 : i32
      %dma_start3A_22 = tpu.memref_slice %arg3[%mul3A_2, %dma_start3A_21] : memref<1280x128xi32, #tpu.memory_space<hbm>> -> memref<40x128xi32, #tpu.memory_space<hbm>>
      tpu.enqueue_dma source(%dma_start3A_22 : memref<40x128xi32, #tpu.memory_space<hbm>>) target(%arg6 : memref<40x128xi32, #tpu.memory_space<vmem>>) target_semaphore(%run_scoped3A : memref<!tpu.dma_semaphore, #tpu.memory_space<semaphore_mem>>)
      %dma_wait3A = arith.constant 0 : i32
      %dma_wait3A_23 = tpu.memref_slice %arg3[%mul3A_2, %dma_wait3A] : memref<1280x128xi32, #tpu.memory_space<hbm>> -> memref<40x128xi32, #tpu.memory_space<hbm>>
      %dma_wait3A_24 = arith.constant 0 : i32
      %dma_wait3A_25 = tpu.memref_slice %arg3[%mul3A_2, %dma_wait3A_24] : memref<1280x128xi32, #tpu.memory_space<hbm>> -> memref<40x128xi32, #tpu.memory_space<hbm>>
      tpu.wait_dma2 semaphore(%run_scoped3A : memref<!tpu.dma_semaphore, #tpu.memory_space<semaphore_mem>>) src(%dma_wait3A_25 : memref<40x128xi32, #tpu.memory_space<hbm>>) dst(%arg6 : memref<40x128xi32, #tpu.memory_space<vmem>>)
      tpu.yield
    }) : () -> ()
    %barrier3A = arith.constant 0 : index
    tpu.barrier barrier_id(%barrier3A)
    %scan3A = arith.constant 0 : i32
    %scan3A_7 = arith.constant 0 : i32
    %scan3A_8 = arith.constant 10 : i32
    %scan3A_9 = arith.addi %scan3A_7, %scan3A_8 : i32
    %scan3A_10 = arith.constant 1 : i32
    scf.for %scan3A_20 = %scan3A_7 to %scan3A_9 step %scan3A_10  : i32 {
      %mul3A_21 = arith.constant 512 : i32
      %mul3A_22 = arith.muli %scan3A_20, %mul3A_21 : i32
      %add3A_23 = arith.addi %mul3A_4, %mul3A_22 : i32
      "tpu.region"() ({
        %run_scoped3A = tpu.sem_alloc : memref<!tpu.dma_semaphore, #tpu.memory_space<semaphore_mem>>
        %dma_start3A = arith.constant 0 : i32
        %dma_start3A_40 = tpu.memref_slice %arg2[%add3A_23, %dma_start3A] : memref<163840x32xf32, #tpu.memory_space<hbm>> -> memref<512x32xf32, #tpu.memory_space<hbm>>
        %dma_start3A_41 = arith.constant 0 : i32
        %dma_start3A_42 = tpu.memref_slice %arg2[%add3A_23, %dma_start3A_41] : memref<163840x32xf32, #tpu.memory_space<hbm>> -> memref<512x32xf32, #tpu.memory_space<hbm>>
        tpu.enqueue_dma source(%dma_start3A_42 : memref<512x32xf32, #tpu.memory_space<hbm>>) target(%arg7 : memref<512x32xf32, #tpu.memory_space<vmem>>) target_semaphore(%run_scoped3A : memref<!tpu.dma_semaphore, #tpu.memory_space<semaphore_mem>>)
        %dma_wait3A = arith.constant 0 : i32
        %dma_wait3A_43 = tpu.memref_slice %arg2[%add3A_23, %dma_wait3A] : memref<163840x32xf32, #tpu.memory_space<hbm>> -> memref<512x32xf32, #tpu.memory_space<hbm>>
        %dma_wait3A_44 = arith.constant 0 : i32
        %dma_wait3A_45 = tpu.memref_slice %arg2[%add3A_23, %dma_wait3A_44] : memref<163840x32xf32, #tpu.memory_space<hbm>> -> memref<512x32xf32, #tpu.memory_space<hbm>>
        tpu.wait_dma2 semaphore(%run_scoped3A : memref<!tpu.dma_semaphore, #tpu.memory_space<semaphore_mem>>) src(%dma_wait3A_45 : memref<512x32xf32, #tpu.memory_space<hbm>>) dst(%arg7 : memref<512x32xf32, #tpu.memory_space<vmem>>)
        tpu.yield
      }) : () -> ()
      %mul3A_24 = arith.constant 4 : i32
      %mul3A_25 = arith.muli %scan3A_20, %mul3A_24 : i32
      %add3A_26 = arith.constant 0 : i32
      %add3A_27 = arith.addi %mul3A_25, %add3A_26 : i32
      "tpu.region"() ({
        %run_scoped3A = tpu.sem_alloc : memref<!tpu.dma_semaphore, #tpu.memory_space<semaphore_mem>>
        %dma_start3A = arith.constant 0 : i32
        %dma_start3A_40 = arith.constant 0 : i32
        %dma_start3A_41 = tpu.memref_slice %arg7[%dma_start3A, %dma_start3A_40] : memref<512x32xf32, #tpu.memory_space<vmem>> -> memref<128x32xf32, #tpu.memory_space<vmem>>
        %dma_start3A_42 = arith.constant 0 : i32
        %dma_start3A_43 = tpu.memref_slice %arg6[%add3A_27, %dma_start3A_42] : memref<40x128xi32, #tpu.memory_space<vmem>> -> memref<1x128xi32, #tpu.memory_space<vmem>>
        %dma_start3A_44 = tpu.memref_squeeze %dma_start3A_43 : memref<1x128xi32, #tpu.memory_space<vmem>> -> memref<128xi32, #tpu.memory_space<vmem>>
        %dma_start3A_45 = arith.constant 0 : i32
        %dma_start3A_46 = arith.constant 0 : i32
        %dma_start3A_47 = tpu.memref_slice %arg9[%dma_start3A_45, %dma_start3A_46] : memref<10240x32xf32, #tpu.memory_space<vmem_shared>> -> memref<10240x32xf32, #tpu.memory_space<vmem_shared>>
        tpu.enqueue_indirect_dma source(%dma_start3A_41 : memref<128x32xf32, #tpu.memory_space<vmem>>) target(%dma_start3A_47 : memref<10240x32xf32, #tpu.memory_space<vmem_shared>>) offsets(%dma_start3A_44 : memref<128xi32, #tpu.memory_space<vmem>>) semaphore(%run_scoped3A : memref<!tpu.dma_semaphore, #tpu.memory_space<semaphore_mem>>) {add = true}
        %dma_wait3A = arith.constant 0 : i32
        %dma_wait3A_48 = arith.constant 0 : i32
        %dma_wait3A_49 = tpu.memref_slice %arg7[%dma_wait3A, %dma_wait3A_48] : memref<512x32xf32, #tpu.memory_space<vmem>> -> memref<128x32xf32, #tpu.memory_space<vmem>>
        %dma_wait3A_50 = arith.constant 0 : i32
        %dma_wait3A_51 = tpu.memref_slice %arg6[%add3A_27, %dma_wait3A_50] : memref<40x128xi32, #tpu.memory_space<vmem>> -> memref<1x128xi32, #tpu.memory_space<vmem>>
        %dma_wait3A_52 = tpu.memref_squeeze %dma_wait3A_51 : memref<1x128xi32, #tpu.memory_space<vmem>> -> memref<128xi32, #tpu.memory_space<vmem>>
        %dma_wait3A_53 = arith.constant 0 : i32
        %dma_wait3A_54 = arith.constant 0 : i32
        %dma_wait3A_55 = tpu.memref_slice %arg9[%dma_wait3A_53, %dma_wait3A_54] : memref<10240x32xf32, #tpu.memory_space<vmem_shared>> -> memref<10240x32xf32, #tpu.memory_space<vmem_shared>>
        tpu.wait_indirect_dma semaphore(%run_scoped3A : memref<!tpu.dma_semaphore, #tpu.memory_space<semaphore_mem>>) src(%dma_wait3A_49 : memref<128x32xf32, #tpu.memory_space<vmem>>) dst(%dma_wait3A_55 : memref<10240x32xf32, #tpu.memory_space<vmem_shared>>)
        tpu.yield
      }) : () -> ()
      %mul3A_28 = arith.constant 4 : i32
      %mul3A_29 = arith.muli %scan3A_20, %mul3A_28 : i32
      %add3A_30 = arith.constant 1 : i32
      %add3A_31 = arith.addi %mul3A_29, %add3A_30 : i32
      "tpu.region"() ({
        %run_scoped3A = tpu.sem_alloc : memref<!tpu.dma_semaphore, #tpu.memory_space<semaphore_mem>>
        %dma_start3A = arith.constant 128 : i32
        %dma_start3A_40 = arith.constant 0 : i32
        %dma_start3A_41 = tpu.memref_slice %arg7[%dma_start3A, %dma_start3A_40] : memref<512x32xf32, #tpu.memory_space<vmem>> -> memref<128x32xf32, #tpu.memory_space<vmem>>
        %dma_start3A_42 = arith.constant 0 : i32
        %dma_start3A_43 = tpu.memref_slice %arg6[%add3A_31, %dma_start3A_42] : memref<40x128xi32, #tpu.memory_space<vmem>> -> memref<1x128xi32, #tpu.memory_space<vmem>>
        %dma_start3A_44 = tpu.memref_squeeze %dma_start3A_43 : memref<1x128xi32, #tpu.memory_space<vmem>> -> memref<128xi32, #tpu.memory_space<vmem>>
        %dma_start3A_45 = arith.constant 0 : i32
        %dma_start3A_46 = arith.constant 0 : i32
        %dma_start3A_47 = tpu.memref_slice %arg9[%dma_start3A_45, %dma_start3A_46] : memref<10240x32xf32, #tpu.memory_space<vmem_shared>> -> memref<10240x32xf32, #tpu.memory_space<vmem_shared>>
        tpu.enqueue_indirect_dma source(%dma_start3A_41 : memref<128x32xf32, #tpu.memory_space<vmem>>) target(%dma_start3A_47 : memref<10240x32xf32, #tpu.memory_space<vmem_shared>>) offsets(%dma_start3A_44 : memref<128xi32, #tpu.memory_space<vmem>>) semaphore(%run_scoped3A : memref<!tpu.dma_semaphore, #tpu.memory_space<semaphore_mem>>) {add = true}
        %dma_wait3A = arith.constant 128 : i32
        %dma_wait3A_48 = arith.constant 0 : i32
        %dma_wait3A_49 = tpu.memref_slice %arg7[%dma_wait3A, %dma_wait3A_48] : memref<512x32xf32, #tpu.memory_space<vmem>> -> memref<128x32xf32, #tpu.memory_space<vmem>>
        %dma_wait3A_50 = arith.constant 0 : i32
        %dma_wait3A_51 = tpu.memref_slice %arg6[%add3A_31, %dma_wait3A_50] : memref<40x128xi32, #tpu.memory_space<vmem>> -> memref<1x128xi32, #tpu.memory_space<vmem>>
        %dma_wait3A_52 = tpu.memref_squeeze %dma_wait3A_51 : memref<1x128xi32, #tpu.memory_space<vmem>> -> memref<128xi32, #tpu.memory_space<vmem>>
        %dma_wait3A_53 = arith.constant 0 : i32
        %dma_wait3A_54 = arith.constant 0 : i32
        %dma_wait3A_55 = tpu.memref_slice %arg9[%dma_wait3A_53, %dma_wait3A_54] : memref<10240x32xf32, #tpu.memory_space<vmem_shared>> -> memref<10240x32xf32, #tpu.memory_space<vmem_shared>>
        tpu.wait_indirect_dma semaphore(%run_scoped3A : memref<!tpu.dma_semaphore, #tpu.memory_space<semaphore_mem>>) src(%dma_wait3A_49 : memref<128x32xf32, #tpu.memory_space<vmem>>) dst(%dma_wait3A_55 : memref<10240x32xf32, #tpu.memory_space<vmem_shared>>)
        tpu.yield
      }) : () -> ()
      %mul3A_32 = arith.constant 4 : i32
      %mul3A_33 = arith.muli %scan3A_20, %mul3A_32 : i32
      %add3A_34 = arith.constant 2 : i32
      %add3A_35 = arith.addi %mul3A_33, %add3A_34 : i32
      "tpu.region"() ({
        %run_scoped3A = tpu.sem_alloc : memref<!tpu.dma_semaphore, #tpu.memory_space<semaphore_mem>>
        %dma_start3A = arith.constant 256 : i32
        %dma_start3A_40 = arith.constant 0 : i32
        %dma_start3A_41 = tpu.memref_slice %arg7[%dma_start3A, %dma_start3A_40] : memref<512x32xf32, #tpu.memory_space<vmem>> -> memref<128x32xf32, #tpu.memory_space<vmem>>
        %dma_start3A_42 = arith.constant 0 : i32
        %dma_start3A_43 = tpu.memref_slice %arg6[%add3A_35, %dma_start3A_42] : memref<40x128xi32, #tpu.memory_space<vmem>> -> memref<1x128xi32, #tpu.memory_space<vmem>>
        %dma_start3A_44 = tpu.memref_squeeze %dma_start3A_43 : memref<1x128xi32, #tpu.memory_space<vmem>> -> memref<128xi32, #tpu.memory_space<vmem>>
        %dma_start3A_45 = arith.constant 0 : i32
        %dma_start3A_46 = arith.constant 0 : i32
        %dma_start3A_47 = tpu.memref_slice %arg9[%dma_start3A_45, %dma_start3A_46] : memref<10240x32xf32, #tpu.memory_space<vmem_shared>> -> memref<10240x32xf32, #tpu.memory_space<vmem_shared>>
        tpu.enqueue_indirect_dma source(%dma_start3A_41 : memref<128x32xf32, #tpu.memory_space<vmem>>) target(%dma_start3A_47 : memref<10240x32xf32, #tpu.memory_space<vmem_shared>>) offsets(%dma_start3A_44 : memref<128xi32, #tpu.memory_space<vmem>>) semaphore(%run_scoped3A : memref<!tpu.dma_semaphore, #tpu.memory_space<semaphore_mem>>) {add = true}
        %dma_wait3A = arith.constant 256 : i32
        %dma_wait3A_48 = arith.constant 0 : i32
        %dma_wait3A_49 = tpu.memref_slice %arg7[%dma_wait3A, %dma_wait3A_48] : memref<512x32xf32, #tpu.memory_space<vmem>> -> memref<128x32xf32, #tpu.memory_space<vmem>>
        %dma_wait3A_50 = arith.constant 0 : i32
        %dma_wait3A_51 = tpu.memref_slice %arg6[%add3A_35, %dma_wait3A_50] : memref<40x128xi32, #tpu.memory_space<vmem>> -> memref<1x128xi32, #tpu.memory_space<vmem>>
        %dma_wait3A_52 = tpu.memref_squeeze %dma_wait3A_51 : memref<1x128xi32, #tpu.memory_space<vmem>> -> memref<128xi32, #tpu.memory_space<vmem>>
        %dma_wait3A_53 = arith.constant 0 : i32
        %dma_wait3A_54 = arith.constant 0 : i32
        %dma_wait3A_55 = tpu.memref_slice %arg9[%dma_wait3A_53, %dma_wait3A_54] : memref<10240x32xf32, #tpu.memory_space<vmem_shared>> -> memref<10240x32xf32, #tpu.memory_space<vmem_shared>>
        tpu.wait_indirect_dma semaphore(%run_scoped3A : memref<!tpu.dma_semaphore, #tpu.memory_space<semaphore_mem>>) src(%dma_wait3A_49 : memref<128x32xf32, #tpu.memory_space<vmem>>) dst(%dma_wait3A_55 : memref<10240x32xf32, #tpu.memory_space<vmem_shared>>)
        tpu.yield
      }) : () -> ()
      %mul3A_36 = arith.constant 4 : i32
      %mul3A_37 = arith.muli %scan3A_20, %mul3A_36 : i32
      %add3A_38 = arith.constant 3 : i32
      %add3A_39 = arith.addi %mul3A_37, %add3A_38 : i32
      "tpu.region"() ({
        %run_scoped3A = tpu.sem_alloc : memref<!tpu.dma_semaphore, #tpu.memory_space<semaphore_mem>>
        %dma_start3A = arith.constant 384 : i32
        %dma_start3A_40 = arith.constant 0 : i32
        %dma_start3A_41 = tpu.memref_slice %arg7[%dma_start3A, %dma_start3A_40] : memref<512x32xf32, #tpu.memory_space<vmem>> -> memref<128x32xf32, #tpu.memory_space<vmem>>
        %dma_start3A_42 = arith.constant 0 : i32
        %dma_start3A_43 = tpu.memref_slice %arg6[%add3A_39, %dma_start3A_42] : memref<40x128xi32, #tpu.memory_space<vmem>> -> memref<1x128xi32, #tpu.memory_space<vmem>>
        %dma_start3A_44 = tpu.memref_squeeze %dma_start3A_43 : memref<1x128xi32, #tpu.memory_space<vmem>> -> memref<128xi32, #tpu.memory_space<vmem>>
        %dma_start3A_45 = arith.constant 0 : i32
        %dma_start3A_46 = arith.constant 0 : i32
        %dma_start3A_47 = tpu.memref_slice %arg9[%dma_start3A_45, %dma_start3A_46] : memref<10240x32xf32, #tpu.memory_space<vmem_shared>> -> memref<10240x32xf32, #tpu.memory_space<vmem_shared>>
        tpu.enqueue_indirect_dma source(%dma_start3A_41 : memref<128x32xf32, #tpu.memory_space<vmem>>) target(%dma_start3A_47 : memref<10240x32xf32, #tpu.memory_space<vmem_shared>>) offsets(%dma_start3A_44 : memref<128xi32, #tpu.memory_space<vmem>>) semaphore(%run_scoped3A : memref<!tpu.dma_semaphore, #tpu.memory_space<semaphore_mem>>) {add = true}
        %dma_wait3A = arith.constant 384 : i32
        %dma_wait3A_48 = arith.constant 0 : i32
        %dma_wait3A_49 = tpu.memref_slice %arg7[%dma_wait3A, %dma_wait3A_48] : memref<512x32xf32, #tpu.memory_space<vmem>> -> memref<128x32xf32, #tpu.memory_space<vmem>>
        %dma_wait3A_50 = arith.constant 0 : i32
        %dma_wait3A_51 = tpu.memref_slice %arg6[%add3A_39, %dma_wait3A_50] : memref<40x128xi32, #tpu.memory_space<vmem>> -> memref<1x128xi32, #tpu.memory_space<vmem>>
        %dma_wait3A_52 = tpu.memref_squeeze %dma_wait3A_51 : memref<1x128xi32, #tpu.memory_space<vmem>> -> memref<128xi32, #tpu.memory_space<vmem>>
        %dma_wait3A_53 = arith.constant 0 : i32
        %dma_wait3A_54 = arith.constant 0 : i32
        %dma_wait3A_55 = tpu.memref_slice %arg9[%dma_wait3A_53, %dma_wait3A_54] : memref<10240x32xf32, #tpu.memory_space<vmem_shared>> -> memref<10240x32xf32, #tpu.memory_space<vmem_shared>>
        tpu.wait_indirect_dma semaphore(%run_scoped3A : memref<!tpu.dma_semaphore, #tpu.memory_space<semaphore_mem>>) src(%dma_wait3A_49 : memref<128x32xf32, #tpu.memory_space<vmem>>) dst(%dma_wait3A_55 : memref<10240x32xf32, #tpu.memory_space<vmem_shared>>)
        tpu.yield
      }) : () -> ()
    }
    %scan3A_11 = arith.constant 10 : i32
    %barrier3A_12 = arith.constant 0 : index
    tpu.barrier barrier_id(%barrier3A_12)
    %mul3A_13 = arith.constant 640 : i32
    %mul3A_14 = arith.muli %arg1, %mul3A_13 : i32
    "tpu.region"() ({
      %run_scoped3A = tpu.sem_alloc : memref<!tpu.dma_semaphore, #tpu.memory_space<semaphore_mem>>
      %dma_start3A = arith.constant 0 : i32
      %dma_start3A_20 = tpu.memref_slice %arg9[%mul3A_14, %dma_start3A] : memref<10240x32xf32, #tpu.memory_space<vmem_shared>> -> memref<640x32xf32, #tpu.memory_space<vmem_shared>>
      %dma_start3A_21 = arith.constant 0 : i32
      %dma_start3A_22 = tpu.memref_slice %arg9[%mul3A_14, %dma_start3A_21] : memref<10240x32xf32, #tpu.memory_space<vmem_shared>> -> memref<640x32xf32, #tpu.memory_space<vmem_shared>>
      tpu.enqueue_dma source(%dma_start3A_22 : memref<640x32xf32, #tpu.memory_space<vmem_shared>>) target(%arg8 : memref<640x32xf32, #tpu.memory_space<vmem>>) target_semaphore(%run_scoped3A : memref<!tpu.dma_semaphore, #tpu.memory_space<semaphore_mem>>)
      %dma_wait3A = arith.constant 0 : i32
      %dma_wait3A_23 = tpu.memref_slice %arg9[%mul3A_14, %dma_wait3A] : memref<10240x32xf32, #tpu.memory_space<vmem_shared>> -> memref<640x32xf32, #tpu.memory_space<vmem_shared>>
      %dma_wait3A_24 = arith.constant 0 : i32
      %dma_wait3A_25 = tpu.memref_slice %arg9[%mul3A_14, %dma_wait3A_24] : memref<10240x32xf32, #tpu.memory_space<vmem_shared>> -> memref<640x32xf32, #tpu.memory_space<vmem_shared>>
      tpu.wait_dma2 semaphore(%run_scoped3A : memref<!tpu.dma_semaphore, #tpu.memory_space<semaphore_mem>>) src(%dma_wait3A_25 : memref<640x32xf32, #tpu.memory_space<vmem_shared>>) dst(%arg8 : memref<640x32xf32, #tpu.memory_space<vmem>>)
      tpu.yield
    }) : () -> ()
    %mul3A_15 = arith.constant 10240 : i32
    %mul3A_16 = arith.muli %arg0, %mul3A_15 : i32
    %mul3A_17 = arith.constant 640 : i32
    %mul3A_18 = arith.muli %arg1, %mul3A_17 : i32
    %add3A_19 = arith.addi %mul3A_16, %mul3A_18 : i32
    "tpu.region"() ({
      %run_scoped3A = tpu.sem_alloc : memref<!tpu.dma_semaphore, #tpu.memory_space<semaphore_mem>>
      %dma_start3A = arith.constant 0 : i32
      %dma_start3A_20 = tpu.memref_slice %arg5[%add3A_19, %dma_start3A] : memref<20480x32xf32, #tpu.memory_space<hbm>> -> memref<640x32xf32, #tpu.memory_space<hbm>>
      %dma_start3A_21 = arith.constant 0 : i32
      %dma_start3A_22 = tpu.memref_slice %arg5[%add3A_19, %dma_start3A_21] : memref<20480x32xf32, #tpu.memory_space<hbm>> -> memref<640x32xf32, #tpu.memory_space<hbm>>
      tpu.enqueue_dma source(%arg8 : memref<640x32xf32, #tpu.memory_space<vmem>>) target(%dma_start3A_22 : memref<640x32xf32, #tpu.memory_space<hbm>>) target_semaphore(%run_scoped3A : memref<!tpu.dma_semaphore, #tpu.memory_space<semaphore_mem>>)
      %dma_wait3A = arith.constant 0 : i32
      %dma_wait3A_23 = tpu.memref_slice %arg5[%add3A_19, %dma_wait3A] : memref<20480x32xf32, #tpu.memory_space<hbm>> -> memref<640x32xf32, #tpu.memory_space<hbm>>
      %dma_wait3A_24 = arith.constant 0 : i32
      %dma_wait3A_25 = tpu.memref_slice %arg5[%add3A_19, %dma_wait3A_24] : memref<20480x32xf32, #tpu.memory_space<hbm>> -> memref<640x32xf32, #tpu.memory_space<hbm>>
      tpu.wait_dma2 semaphore(%run_scoped3A : memref<!tpu.dma_semaphore, #tpu.memory_space<semaphore_mem>>) src(%arg8 : memref<640x32xf32, #tpu.memory_space<vmem>>) dst(%dma_wait3A_25 : memref<640x32xf32, #tpu.memory_space<hbm>>)
      tpu.yield
    }) : () -> ()
    return
  }
}

module attributes {stable_mosaic.version = 14 : i64} {
  func.func @_msg_body(%arg0: i32, %arg1: memref<4096x64xbf16, #tpu.memory_space<vmem>>, %arg2: memref<4096x17xbf16, #tpu.memory_space<vmem>>, %arg3: memref<64x544xbf16, #tpu.memory_space<vmem>>, %arg4: memref<17x544xbf16, #tpu.memory_space<vmem>>, %arg5: memref<4096x32xf32, #tpu.memory_space<vmem>>) attributes {dimension_semantics = [#tpu.dimension_semantics<arbitrary>], iteration_bounds = array<i64: 40>, scalar_prefetch = 0 : i64, scratch_operands = 0 : i64, tpu.core_type = #tpu.core_type<tc>, window_params = [{transform_indices = @transform_0, window_bounds = array<i64: 4096, 64>}, {transform_indices = @transform_1, window_bounds = array<i64: 4096, 17>}, {pipeline_mode = #tpu.pipeline_mode<synchronous>, transform_indices = @transform_2, window_bounds = array<i64: 64, 544>}, {pipeline_mode = #tpu.pipeline_mode<synchronous>, transform_indices = @transform_3, window_bounds = array<i64: 17, 544>}, {transform_indices = @transform_4, window_bounds = array<i64: 4096, 32>}]} {
    %get3A = arith.constant 0 : index
    %get3A_0 = arith.constant 0 : index
    %get3A_1 = vector.load %arg1[%get3A, %get3A_0] : memref<4096x64xbf16, #tpu.memory_space<vmem>>, vector<4096x64xbf16>
    %get3A_2 = arith.constant 0 : index
    %get3A_3 = arith.constant 0 : index
    %get3A_4 = vector.load %arg2[%get3A_2, %get3A_3] : memref<4096x17xbf16, #tpu.memory_space<vmem>>, vector<4096x17xbf16>
    %get3A_5 = arith.constant 0 : index
    %get3A_6 = arith.constant 0 : index
    %get3A_7 = vector.load %arg3[%get3A_5, %get3A_6] : memref<64x544xbf16, #tpu.memory_space<vmem>>, vector<64x128xbf16>
    %dot_general3A = arith.constant dense<0.000000e+00> : vector<4096x128xf32>
    %dot_general3A_8 = tpu.matmul %get3A_1, %get3A_7, %dot_general3A {dimension_numbers = #tpu.dot_dimension_numbers<[1], [0], [0], [1], [0, 0, 1, 1], [], []>, transpose_lhs_hint = false} : vector<4096x64xbf16>, vector<64x128xbf16>, vector<4096x128xf32> -> vector<4096x128xf32>
    %get3A_9 = arith.constant 0 : index
    %get3A_10 = arith.constant 0 : index
    %get3A_11 = vector.load %arg4[%get3A_9, %get3A_10] : memref<17x544xbf16, #tpu.memory_space<vmem>>, vector<17x128xbf16>
    %dot_general3A_12 = arith.constant dense<0.000000e+00> : vector<4096x128xf32>
    %dot_general3A_13 = tpu.matmul %get3A_4, %get3A_11, %dot_general3A_12 {dimension_numbers = #tpu.dot_dimension_numbers<[1], [0], [0], [1], [0, 0, 1, 1], [], []>, transpose_lhs_hint = false} : vector<4096x17xbf16>, vector<17x128xbf16>, vector<4096x128xf32> -> vector<4096x128xf32>
    %mul3A = arith.mulf %dot_general3A_8, %dot_general3A_13 : vector<4096x128xf32>
    %get3A_14 = arith.constant 0 : index
    %get3A_15 = arith.constant 128 : index
    %get3A_16 = vector.load %arg3[%get3A_14, %get3A_15] : memref<64x544xbf16, #tpu.memory_space<vmem>>, vector<64x128xbf16>
    %dot_general3A_17 = arith.constant dense<0.000000e+00> : vector<4096x128xf32>
    %dot_general3A_18 = tpu.matmul %get3A_1, %get3A_16, %dot_general3A_17 {dimension_numbers = #tpu.dot_dimension_numbers<[1], [0], [0], [1], [0, 0, 1, 1], [], []>, transpose_lhs_hint = false} : vector<4096x64xbf16>, vector<64x128xbf16>, vector<4096x128xf32> -> vector<4096x128xf32>
    %get3A_19 = arith.constant 0 : index
    %get3A_20 = arith.constant 128 : index
    %get3A_21 = vector.load %arg4[%get3A_19, %get3A_20] : memref<17x544xbf16, #tpu.memory_space<vmem>>, vector<17x128xbf16>
    %dot_general3A_22 = arith.constant dense<0.000000e+00> : vector<4096x128xf32>
    %dot_general3A_23 = tpu.matmul %get3A_4, %get3A_21, %dot_general3A_22 {dimension_numbers = #tpu.dot_dimension_numbers<[1], [0], [0], [1], [0, 0, 1, 1], [], []>, transpose_lhs_hint = false} : vector<4096x17xbf16>, vector<17x128xbf16>, vector<4096x128xf32> -> vector<4096x128xf32>
    %mul3A_24 = arith.mulf %dot_general3A_18, %dot_general3A_23 : vector<4096x128xf32>
    %add3A = arith.addf %mul3A, %mul3A_24 : vector<4096x128xf32>
    %get3A_25 = arith.constant 0 : index
    %get3A_26 = arith.constant 256 : index
    %get3A_27 = vector.load %arg3[%get3A_25, %get3A_26] : memref<64x544xbf16, #tpu.memory_space<vmem>>, vector<64x128xbf16>
    %dot_general3A_28 = arith.constant dense<0.000000e+00> : vector<4096x128xf32>
    %dot_general3A_29 = tpu.matmul %get3A_1, %get3A_27, %dot_general3A_28 {dimension_numbers = #tpu.dot_dimension_numbers<[1], [0], [0], [1], [0, 0, 1, 1], [], []>, transpose_lhs_hint = false} : vector<4096x64xbf16>, vector<64x128xbf16>, vector<4096x128xf32> -> vector<4096x128xf32>
    %get3A_30 = arith.constant 0 : index
    %get3A_31 = arith.constant 256 : index
    %get3A_32 = vector.load %arg4[%get3A_30, %get3A_31] : memref<17x544xbf16, #tpu.memory_space<vmem>>, vector<17x128xbf16>
    %dot_general3A_33 = arith.constant dense<0.000000e+00> : vector<4096x128xf32>
    %dot_general3A_34 = tpu.matmul %get3A_4, %get3A_32, %dot_general3A_33 {dimension_numbers = #tpu.dot_dimension_numbers<[1], [0], [0], [1], [0, 0, 1, 1], [], []>, transpose_lhs_hint = false} : vector<4096x17xbf16>, vector<17x128xbf16>, vector<4096x128xf32> -> vector<4096x128xf32>
    %mul3A_35 = arith.mulf %dot_general3A_29, %dot_general3A_34 : vector<4096x128xf32>
    %add3A_36 = arith.addf %add3A, %mul3A_35 : vector<4096x128xf32>
    %get3A_37 = arith.constant 0 : index
    %get3A_38 = arith.constant 384 : index
    %get3A_39 = vector.load %arg3[%get3A_37, %get3A_38] : memref<64x544xbf16, #tpu.memory_space<vmem>>, vector<64x128xbf16>
    %dot_general3A_40 = arith.constant dense<0.000000e+00> : vector<4096x128xf32>
    %dot_general3A_41 = tpu.matmul %get3A_1, %get3A_39, %dot_general3A_40 {dimension_numbers = #tpu.dot_dimension_numbers<[1], [0], [0], [1], [0, 0, 1, 1], [], []>, transpose_lhs_hint = false} : vector<4096x64xbf16>, vector<64x128xbf16>, vector<4096x128xf32> -> vector<4096x128xf32>
    %get3A_42 = arith.constant 0 : index
    %get3A_43 = arith.constant 384 : index
    %get3A_44 = vector.load %arg4[%get3A_42, %get3A_43] : memref<17x544xbf16, #tpu.memory_space<vmem>>, vector<17x128xbf16>
    %dot_general3A_45 = arith.constant dense<0.000000e+00> : vector<4096x128xf32>
    %dot_general3A_46 = tpu.matmul %get3A_4, %get3A_44, %dot_general3A_45 {dimension_numbers = #tpu.dot_dimension_numbers<[1], [0], [0], [1], [0, 0, 1, 1], [], []>, transpose_lhs_hint = false} : vector<4096x17xbf16>, vector<17x128xbf16>, vector<4096x128xf32> -> vector<4096x128xf32>
    %mul3A_47 = arith.mulf %dot_general3A_41, %dot_general3A_46 : vector<4096x128xf32>
    %add3A_48 = arith.addf %add3A_36, %mul3A_47 : vector<4096x128xf32>
    %get3A_49 = arith.constant 0 : index
    %get3A_50 = arith.constant 512 : index
    %get3A_51 = vector.load %arg3[%get3A_49, %get3A_50] : memref<64x544xbf16, #tpu.memory_space<vmem>>, vector<64x32xbf16>
    %dot_general3A_52 = arith.constant dense<0.000000e+00> : vector<4096x32xf32>
    %dot_general3A_53 = tpu.matmul %get3A_1, %get3A_51, %dot_general3A_52 {dimension_numbers = #tpu.dot_dimension_numbers<[1], [0], [0], [1], [0, 0, 1, 1], [], []>, transpose_lhs_hint = false} : vector<4096x64xbf16>, vector<64x32xbf16>, vector<4096x32xf32> -> vector<4096x32xf32>
    %get3A_54 = arith.constant 0 : index
    %get3A_55 = arith.constant 512 : index
    %get3A_56 = vector.load %arg4[%get3A_54, %get3A_55] : memref<17x544xbf16, #tpu.memory_space<vmem>>, vector<17x32xbf16>
    %dot_general3A_57 = arith.constant dense<0.000000e+00> : vector<4096x32xf32>
    %dot_general3A_58 = tpu.matmul %get3A_4, %get3A_56, %dot_general3A_57 {dimension_numbers = #tpu.dot_dimension_numbers<[1], [0], [0], [1], [0, 0, 1, 1], [], []>, transpose_lhs_hint = false} : vector<4096x17xbf16>, vector<17x32xbf16>, vector<4096x32xf32> -> vector<4096x32xf32>
    %slice3A = vector.extract_strided_slice %add3A_48 {offsets = [0, 0], sizes = [4096, 64], strides = [1, 1]} : vector<4096x128xf32> to vector<4096x64xf32>
    %slice3A_59 = vector.extract_strided_slice %add3A_48 {offsets = [0, 64], sizes = [4096, 64], strides = [1, 1]} : vector<4096x128xf32> to vector<4096x64xf32>
    %add3A_60 = arith.addf %slice3A, %slice3A_59 : vector<4096x64xf32>
    %slice3A_61 = vector.extract_strided_slice %add3A_60 {offsets = [0, 0], sizes = [4096, 32], strides = [1, 1]} : vector<4096x64xf32> to vector<4096x32xf32>
    %slice3A_62 = vector.extract_strided_slice %add3A_60 {offsets = [0, 32], sizes = [4096, 32], strides = [1, 1]} : vector<4096x64xf32> to vector<4096x32xf32>
    %add3A_63 = arith.addf %slice3A_61, %slice3A_62 : vector<4096x32xf32>
    %mul3A_64 = arith.mulf %dot_general3A_53, %dot_general3A_58 : vector<4096x32xf32>
    %add3A_65 = arith.addf %add3A_63, %mul3A_64 : vector<4096x32xf32>
    %swap3A = arith.constant 0 : index
    %swap3A_66 = arith.constant 0 : index
    %swap3A_67 = vector.load %arg5[%swap3A, %swap3A_66] : memref<4096x32xf32, #tpu.memory_space<vmem>>, vector<4096x32xf32>
    tpu.vector_store %arg5[%swap3A, %swap3A_66], %add3A_65 {strides = array<i32>} : memref<4096x32xf32, #tpu.memory_space<vmem>>, vector<4096x32xf32>,
    return
  }
  func.func @transform_0(%arg0: i32) -> (i32, i32) {
    %c0_i32 = arith.constant 0 : i32
    %c0_i32_0 = arith.constant 0 : i32
    return %arg0, %c0_i32 : i32, i32
  }
  func.func @transform_1(%arg0: i32) -> (i32, i32) {
    %c0_i32 = arith.constant 0 : i32
    %c0_i32_0 = arith.constant 0 : i32
    return %arg0, %c0_i32 : i32, i32
  }
  func.func @transform_2(%arg0: i32) -> (i32, i32) {
    %c0_i32 = arith.constant 0 : i32
    %c0_i32_0 = arith.constant 0 : i32
    %c0_i32_1 = arith.constant 0 : i32
    return %c0_i32, %c0_i32_0 : i32, i32
  }
  func.func @transform_3(%arg0: i32) -> (i32, i32) {
    %c0_i32 = arith.constant 0 : i32
    %c0_i32_0 = arith.constant 0 : i32
    %c0_i32_1 = arith.constant 0 : i32
    return %c0_i32, %c0_i32_0 : i32, i32
  }
  func.func @transform_4(%arg0: i32) -> (i32, i32) {
    %c0_i32 = arith.constant 0 : i32
    %c0_i32_0 = arith.constant 0 : i32
    return %arg0, %c0_i32 : i32, i32
  }
}

module attributes {stable_mosaic.version = 14 : i64} {
  func.func @_epi_body(%arg0: memref<10000x32xf32, #tpu.memory_space<vmem>>, %arg1: memref<10000x32xf32, #tpu.memory_space<vmem>>, %arg2: memref<10000x64xf32, #tpu.memory_space<vmem>>, %arg3: memref<10000x1xi32, #tpu.memory_space<vmem>>, %arg4: memref<64x32xf32, #tpu.memory_space<vmem>>, %arg5: memref<1x32xf32, #tpu.memory_space<vmem>>, %arg6: memref<1x32xf32, #tpu.memory_space<vmem>>, %arg7: memref<1x32xf32, #tpu.memory_space<vmem>>, %arg8: memref<32x128xf32, #tpu.memory_space<vmem>>, %arg9: memref<1x128xf32, #tpu.memory_space<vmem>>, %arg10: memref<32x128xf32, #tpu.memory_space<vmem>>, %arg11: memref<1x128xf32, #tpu.memory_space<vmem>>, %arg12: memref<64x128xf32, #tpu.memory_space<vmem>>) attributes {dimension_semantics = [], scalar_prefetch = 0 : i64, scratch_operands = 0 : i64, tpu.core_type = #tpu.core_type<tc>} {
    %get3A = arith.constant 0 : index
    %get3A_0 = arith.constant 0 : index
    %get3A_1 = vector.load %arg0[%get3A, %get3A_0] : memref<10000x32xf32, #tpu.memory_space<vmem>>, vector<10000x32xf32>
    %get3A_2 = arith.constant 0 : index
    %get3A_3 = arith.constant 0 : index
    %get3A_4 = vector.load %arg1[%get3A_2, %get3A_3] : memref<10000x32xf32, #tpu.memory_space<vmem>>, vector<10000x32xf32>
    %add3A = arith.addf %get3A_1, %get3A_4 : vector<10000x32xf32>
    %get3A_5 = arith.constant 0 : index
    %get3A_6 = arith.constant 0 : index
    %get3A_7 = vector.load %arg2[%get3A_5, %get3A_6] : memref<10000x64xf32, #tpu.memory_space<vmem>>, vector<10000x64xf32>
    %get3A_8 = arith.constant 0 : index
    %get3A_9 = arith.constant 0 : index
    %get3A_10 = vector.load %arg4[%get3A_8, %get3A_9] : memref<64x32xf32, #tpu.memory_space<vmem>>, vector<64x32xf32>
    %dot_general3A = arith.constant dense<0.000000e+00> : vector<10000x32xf32>
    %dot_general3A_11 = tpu.matmul %get3A_7, %get3A_10, %dot_general3A {dimension_numbers = #tpu.dot_dimension_numbers<[1], [0], [0], [1], [0, 0, 1, 1], [], []>, transpose_lhs_hint = false} : vector<10000x64xf32>, vector<64x32xf32>, vector<10000x32xf32> -> vector<10000x32xf32>
    %add3A_12 = arith.addf %add3A, %dot_general3A_11 : vector<10000x32xf32>
    %get3A_13 = arith.constant 0 : index
    %get3A_14 = arith.constant 0 : index
    %get3A_15 = vector.load %arg5[%get3A_13, %get3A_14] : memref<1x32xf32, #tpu.memory_space<vmem>>, vector<1x32xf32>
    %add3A_16 = vector.broadcast %get3A_15 : vector<1x32xf32> to vector<10000x32xf32>
    %add3A_17 = arith.addf %add3A_12, %add3A_16 : vector<10000x32xf32>
    %reduce_sum3A = arith.constant dense<0.000000e+00> : vector<32xf32>
    %reduce_sum3A_18 = vector.multi_reduction <add>, %add3A_17, %reduce_sum3A [0] : vector<10000x32xf32> to vector<32xf32>
    %broadcast_in_dim3A = vector.shape_cast %reduce_sum3A_18 : vector<32xf32> to vector<1x32xf32>
    %div3A = arith.constant 1.000000e+04 : f32
    %div3A_19 = vector.broadcast %div3A : f32 to vector<1x32xf32>
    %div3A_20 = arith.divf %broadcast_in_dim3A, %div3A_19 : vector<1x32xf32>
    %sub3A = vector.broadcast %div3A_20 : vector<1x32xf32> to vector<10000x32xf32>
    %sub3A_21 = arith.subf %add3A_17, %sub3A : vector<10000x32xf32>
    %square3A = arith.mulf %sub3A_21, %sub3A_21 : vector<10000x32xf32>
    %reduce_sum3A_22 = arith.constant dense<0.000000e+00> : vector<32xf32>
    %reduce_sum3A_23 = vector.multi_reduction <add>, %square3A, %reduce_sum3A_22 [0] : vector<10000x32xf32> to vector<32xf32>
    %broadcast_in_dim3A_24 = vector.shape_cast %reduce_sum3A_23 : vector<32xf32> to vector<1x32xf32>
    %div3A_25 = arith.constant 1.000000e+04 : f32
    %div3A_26 = vector.broadcast %div3A_25 : f32 to vector<1x32xf32>
    %div3A_27 = arith.divf %broadcast_in_dim3A_24, %div3A_26 : vector<1x32xf32>
    %sub3A_28 = vector.broadcast %div3A_20 : vector<1x32xf32> to vector<10000x32xf32>
    %sub3A_29 = arith.subf %add3A_17, %sub3A_28 : vector<10000x32xf32>
    %add3A_30 = arith.constant 9.99999974E-6 : f32
    %add3A_31 = vector.broadcast %add3A_30 : f32 to vector<1x32xf32>
    %add3A_32 = arith.addf %div3A_27, %add3A_31 : vector<1x32xf32>
    %rsqrt3A = math.rsqrt %add3A_32 : vector<1x32xf32>
    %mul3A = vector.broadcast %rsqrt3A : vector<1x32xf32> to vector<10000x32xf32>
    %mul3A_33 = arith.mulf %sub3A_29, %mul3A : vector<10000x32xf32>
    %get3A_34 = arith.constant 0 : index
    %get3A_35 = arith.constant 0 : index
    %get3A_36 = vector.load %arg6[%get3A_34, %get3A_35] : memref<1x32xf32, #tpu.memory_space<vmem>>, vector<1x32xf32>
    %mul3A_37 = vector.broadcast %get3A_36 : vector<1x32xf32> to vector<10000x32xf32>
    %mul3A_38 = arith.mulf %mul3A_33, %mul3A_37 : vector<10000x32xf32>
    %get3A_39 = arith.constant 0 : index
    %get3A_40 = arith.constant 0 : index
    %get3A_41 = vector.load %arg7[%get3A_39, %get3A_40] : memref<1x32xf32, #tpu.memory_space<vmem>>, vector<1x32xf32>
    %add3A_42 = vector.broadcast %get3A_41 : vector<1x32xf32> to vector<10000x32xf32>
    %add3A_43 = arith.addf %mul3A_38, %add3A_42 : vector<10000x32xf32>
    %max3A = arith.constant 0.000000e+00 : f32
    %max3A_44 = vector.broadcast %max3A : f32 to vector<10000x32xf32>
    %max3A_45 = arith.maximumf %add3A_43, %max3A_44 : vector<10000x32xf32>
    %get3A_46 = arith.constant 0 : index
    %get3A_47 = arith.constant 0 : index
    %get3A_48 = vector.load %arg8[%get3A_46, %get3A_47] : memref<32x128xf32, #tpu.memory_space<vmem>>, vector<32x128xf32>
    %dot_general3A_49 = arith.constant dense<0.000000e+00> : vector<10000x128xf32>
    %dot_general3A_50 = tpu.matmul %max3A_45, %get3A_48, %dot_general3A_49 {dimension_numbers = #tpu.dot_dimension_numbers<[1], [0], [0], [1], [0, 0, 1, 1], [], []>, transpose_lhs_hint = false} : vector<10000x32xf32>, vector<32x128xf32>, vector<10000x128xf32> -> vector<10000x128xf32>
    %get3A_51 = arith.constant 0 : index
    %get3A_52 = arith.constant 0 : index
    %get3A_53 = vector.load %arg9[%get3A_51, %get3A_52] : memref<1x128xf32, #tpu.memory_space<vmem>>, vector<1x128xf32>
    %add3A_54 = vector.broadcast %get3A_53 : vector<1x128xf32> to vector<10000x128xf32>
    %add3A_55 = arith.addf %dot_general3A_50, %add3A_54 : vector<10000x128xf32>
    %get3A_56 = arith.constant 0 : index
    %get3A_57 = arith.constant 0 : index
    %get3A_58 = vector.load %arg10[%get3A_56, %get3A_57] : memref<32x128xf32, #tpu.memory_space<vmem>>, vector<32x128xf32>
    %dot_general3A_59 = arith.constant dense<0.000000e+00> : vector<10000x128xf32>
    %dot_general3A_60 = tpu.matmul %max3A_45, %get3A_58, %dot_general3A_59 {dimension_numbers = #tpu.dot_dimension_numbers<[1], [0], [0], [1], [0, 0, 1, 1], [], []>, transpose_lhs_hint = false} : vector<10000x32xf32>, vector<32x128xf32>, vector<10000x128xf32> -> vector<10000x128xf32>
    %get3A_61 = arith.constant 0 : index
    %get3A_62 = arith.constant 0 : index
    %get3A_63 = vector.load %arg11[%get3A_61, %get3A_62] : memref<1x128xf32, #tpu.memory_space<vmem>>, vector<1x128xf32>
    %add3A_64 = vector.broadcast %get3A_63 : vector<1x128xf32> to vector<10000x128xf32>
    %add3A_65 = arith.addf %dot_general3A_60, %add3A_64 : vector<10000x128xf32>
    %jit3A = arith.constant -3.000000e+01 : f32
    %jit3A_66 = arith.constant 3.000000e+01 : f32
    %max3A_67 = vector.broadcast %jit3A : f32 to vector<10000x128xf32>
    %max3A_68 = arith.maximumf %max3A_67, %add3A_55 : vector<10000x128xf32>
    %min3A = vector.broadcast %jit3A_66 : f32 to vector<10000x128xf32>
    %min3A_69 = arith.minimumf %min3A, %max3A_68 : vector<10000x128xf32>
    %tanh3A = math.tanh %add3A_65 : vector<10000x128xf32>
    %exp3A = math.exp %min3A_69 : vector<10000x128xf32>
    %add3A_70 = arith.constant 1.000000e+00 : f32
    %add3A_71 = vector.broadcast %add3A_70 : f32 to vector<10000x128xf32>
    %add3A_72 = arith.addf %add3A_71, %exp3A : vector<10000x128xf32>
    %div3A_73 = arith.divf %tanh3A, %add3A_72 : vector<10000x128xf32>
    %iota3A = tpu.iota {dimensions = array<i32: 1>} : vector<10000x64xi32>
    %get3A_74 = arith.constant 0 : index
    %get3A_75 = arith.constant 0 : index
    %get3A_76 = vector.load %arg3[%get3A_74, %get3A_75] : memref<10000x1xi32, #tpu.memory_space<vmem>>, vector<10000x1xi32>
    %eq3A = vector.broadcast %get3A_76 : vector<10000x1xi32> to vector<10000x64xi32>
    %eq3A_77 = arith.cmpi eq, %eq3A, %iota3A : vector<10000x64xi32>
    %convert_element_type3A = arith.extui %eq3A_77 : vector<10000x64xi1> to vector<10000x64xi32>
    %convert_element_type3A_78 = arith.sitofp %convert_element_type3A : vector<10000x64xi32> to vector<10000x64xf32>
    %dot_general3A_79 = arith.constant dense<0.000000e+00> : vector<64x128xf32>
    %dot_general3A_80 = tpu.matmul %convert_element_type3A_78, %div3A_73, %dot_general3A_79 {dimension_numbers = #tpu.dot_dimension_numbers<[0], [0], [1], [1], [0, 1, 1, 1], [], []>, transpose_lhs_hint = false} : vector<10000x64xf32>, vector<10000x128xf32>, vector<64x128xf32> -> vector<64x128xf32>
    %swap3A = arith.constant 0 : index
    %swap3A_81 = arith.constant 0 : index
    %swap3A_82 = vector.load %arg12[%swap3A, %swap3A_81] : memref<64x128xf32, #tpu.memory_space<vmem>>, vector<64x128xf32>
    tpu.vector_store %arg12[%swap3A, %swap3A_81], %dot_general3A_80 {strides = array<i32>} : memref<64x128xf32, #tpu.memory_space<vmem>>, vector<64x128xf32>,
    return
  }
}

</mosaic_0001>

<sc_bundles>
// kernel: kernel.6.cloned.1.call-start
scs
__scs_entry_jumppad:
0x0: {  	(pc) =	sbr.rel $0x88, $3  }
0x1: {  	(tag) =	ssettag $0x0;
	lr =	simm.s32 $0x1  }
0x2: {  	[smem:$0x3F93] =	sst lr;
	_ =	strace $0xD0000000  }
0x3: {  	_ = 	snop  }
0x4: {  	_ = 	snop  }
0x5: {  	_ = 	snop  }
0x6: {  	_ = 	snop  }
0x7: {  	_ = 	snop  }
__scs_overlays_trampoline_lowered:
0x8: {  	[smem:$0x3FA2] =	sst s0  }
0x9: {  	[smem:$0x3FA3] =	sst s1  }
0xa: {  	[smem:$0x3FA4] =	sst s2  }
0xb: {  	[smem:$0x3FA5] =	sst s3  }
0xc: {  	[smem:$0x3FA6] =	sst s4  }
0xd: {  	[smem:$0x3FA7] =	sst s5  }
0xe: {  	[smem:$0x3FA8] =	sst s6  }
0xf: {  	[smem:$0x3FA9] =	sst s7  }
0x10: {  	[smem:$0x3FAA] =	sst s8  }
0x11: {  	[smem:$0x3FAB] =	sst s9;
	s0 =	simm.s32 @!p0 $0x0  }
0x12: {  	s1 =	sld [smem:$0x3F91];
	s0 =	simm.s32 @p0 $0x1  }
0x13: {  	[smem:$0x3FAC] =	sst s0;
	s0 =	simm.s32 @!p1 $0x0  }
0x14: {  	s2 =	sld [smem:$0x3F90];
	s0 =	simm.s32 @p1 $0x1  }
0x15: {  	[smem:$0x3FAD] =	sst s0;
	s0 =	simm.s32 @!p2 $0x0  }
0x16: {  	s3 =	sld [smem:$0x3FDB];
	s0 =	simm.s32 @p2 $0x1  }
0x17: {  	s4 =	simm.s32 $0x1BF5;
	[smem:$0x3FAF] =	sst s0  }
0x18: {  	s0 =	sld [smem:$0x3F92];
	_ =	swait.ge [sflag:s4], $0x0  }
0x19: {  	s7 =	sld [smem:$0x3F93]  }
0x1a: {  	s8 =	sadd.s32 $0xFFFFE003, lr  }
0x1b: {  	s9 =	sadd.s32 $0xFFFFFEF7, lr;
	s5 =	simm.s32 $0xFFFFFFFF;
	p2 =	slt.u32 s8, $0xFFFFF086  }
0x1c: {  	p1 =	slt.u32 s9, $0xF7A;
	s5 =	simm.s32 @!p2 $0x0  }
0x1d: {  	s5 =	simm.s32 @p1 $0x1;
	p0 =	seq.s32 s7, s2  }
0x1e: {  	s7 =	smul.u32 @!p0 $0xF7A, s2;
	p2 =	seq.s32 @!p0 s5, $0x0  }
0x1f: {  	s9 =	smul.u32 $0xF7A, s1;
	s8 =	simm.s32 @!p0 $0x1BF5;
	p2 =	por !p2, p0  }
0x20: {  	[sflag:s8] =	ssyncset.s32 @!p0 $0xFFFFF086;
	s6 =	sadd.s32 @!p0 s3, s7;
	s7 =	simm.s32 @!p0 $0x108  }
0x21: {  	s3 =	sadd.s32 s3, s9;
	s6 =	sadd.s32 @!p0 $0x88, s6;
	s7 =	simm.s32 @p2 $0x1082  }
0x22: {  	[simem:s7], [sflag:s8] =	dma.local @!p0 [hbm:s6], $0xF7A  }
0x23: {  	s9 =	sor.u32 $0xD0000000, s2;
	s6 =	simm.s32 $0x108;
	_ =	swait.ge @!p0 [sflag:s8], $0x0  }
0x24: {  	s3 =	sadd.s32 $0x88, s3;
	s6 =	simm.s32 @!p1 $0x1082;
	[sflag:s4] =	ssyncset.s32 $0xFFFFF086  }
0x25: {  	[simem:s6], [sflag:s4] =	dma.local [hbm:s3], $0xF7A  }
0x26: {  	[smem:$0x3F93] =	sst s1;
	(tag) =	ssettag s2;
	_ =	strace s9  }
0x27: {  	s1 =	sld [smem:$0x3FA3]  }
0x28: {  	s2 =	sld [smem:$0x3FA4]  }
0x29: {  	s4 =	sld [smem:$0x3FA6]  }
0x2a: {  	p0 =	seq.s32 s5, $0x0;
	s5 =	sld [smem:$0x3FA7]  }
0x2b: {  	s6 =	sld [smem:$0x3FA8]  }
0x2c: {  	s7 =	sld [smem:$0x3FA9]  }
0x2d: {  	s3 =	simm.s32 $0x108;
	s8 =	sld [smem:$0x3FAA]  }
0x2e: {  	s3 =	simm.s32 @!p0 $0x1082;
	s9 =	sld [smem:$0x3FAB]  }
0x2f: {  	lr =	sadd.s32 s0, s3;
	s0 =	sld [smem:$0x3FA2]  }
0x30: {  	s3 =	sld [smem:$0x3FA5]  }
0x31: {  	[smem:$0x3FAE] =	sst s10  }
0x32: {  	s10 =	sld [smem:$0x3FAC];
	_ =	sdelay $0x3  }
0x33: {  	p0 =	seq.s32 s10, $0x1;
	s10 =	sld [smem:$0x3FAE];
	_ =	sdelay $0x3  }
0x34: {  	[smem:$0x3FAE] =	sst s10  }
0x35: {  	s10 =	sld [smem:$0x3FAD];
	_ =	sdelay $0x3  }
0x36: {  	p1 =	seq.s32 s10, $0x1;
	s10 =	sld [smem:$0x3FAE];
	_ =	sdelay $0x3  }
0x37: {  	[smem:$0x3FAE] =	sst s10  }
0x38: {  	s10 =	sld [smem:$0x3FAF]  }
0x39: {  	_ = 	snop;
	(pc) =	sbr.ind lr, $3  }
0x3a: {  	_ = 	snop  }
0x3b: {  	_ = 	snop  }
0x3c: {  	p2 =	seq.s32 s10, $0x1;
	s10 =	sld [smem:$0x3FAE]  }
0x3d: {  	_ =	shalt  }
0x3e: {  	_ =	shalt  }
0x3f: {  	_ =	shalt  }
0x40: {  	_ =	shalt  }
0x41: {  	_ =	shalt  }
0x42: {  	_ =	shalt  }
0x43: {  	_ =	shalt  }
0x44: {  	_ =	shalt  }
0x45: {  	_ =	shalt  }
0x46: {  	_ =	shalt  }
0x47: {  	_ =	shalt  }
0x48: {  	_ =	shalt  }
0x49: {  	_ =	shalt  }
0x4a: {  	_ =	shalt  }
0x4b: {  	_ =	shalt  }
0x4c: {  	_ =	shalt  }
0x4d: {  	_ =	shalt  }
0x4e: {  	_ =	shalt  }
0x4f: {  	_ =	shalt  }
0x50: {  	_ =	shalt  }
0x51: {  	_ =	shalt  }
0x52: {  	_ =	shalt  }
0x53: {  	_ =	shalt  }
0x54: {  	_ =	shalt  }
0x55: {  	_ =	shalt  }
0x56: {  	_ =	shalt  }
0x57: {  	_ =	shalt  }
0x58: {  	_ =	shalt  }
0x59: {  	_ =	shalt  }
0x5a: {  	_ =	shalt  }
0x5b: {  	_ =	shalt  }
0x5c: {  	_ =	shalt  }
0x5d: {  	_ =	shalt  }
0x5e: {  	_ =	shalt  }
0x5f: {  	_ =	shalt  }
0x60: {  	_ =	shalt  }
0x61: {  	_ =	shalt  }
0x62: {  	_ =	shalt  }
0x63: {  	_ =	shalt  }
0x64: {  	_ =	shalt  }
0x65: {  	_ =	shalt  }
0x66: {  	_ =	shalt  }
0x67: {  	_ =	shalt  }
0x68: {  	_ =	shalt  }
0x69: {  	_ =	shalt  }
0x6a: {  	_ =	shalt  }
0x6b: {  	_ =	shalt  }
0x6c: {  	_ =	shalt  }
0x6d: {  	_ =	shalt  }
0x6e: {  	_ =	shalt  }
0x6f: {  	_ =	shalt  }
0x70: {  	_ =	shalt  }
0x71: {  	_ =	shalt  }
0x72: {  	_ =	shalt  }
0x73: {  	_ =	shalt  }
0x74: {  	_ =	shalt  }
0x75: {  	_ =	shalt  }
0x76: {  	_ =	shalt  }
0x77: {  	_ =	shalt  }
0x78: {  	_ =	shalt  }
0x79: {  	_ =	shalt  }
0x7a: {  	_ =	shalt  }
0x7b: {  	_ =	shalt  }
0x7c: {  	_ =	shalt  }
0x7d: {  	_ =	shalt  }
0x7e: {  	_ =	shalt  }
0x7f: {  	_ =	shalt  }
0x80: {  	_ =	shalt  }
0x81: {  	_ =	shalt  }
0x82: {  	_ =	shalt  }
0x83: {  	_ =	shalt  }
0x84: {  	_ =	shalt  }
0x85: {  	_ =	shalt  }
0x86: {  	_ =	shalt  }
0x87: {  	_ =	shalt  }
.Lfunc_end0:
.L_simem_size_0:
called_computation_lowered:
.L_overlay_start_0:
0x88: {  	s2 =	sld [smem:$0x3FD9]  }
0x89: {  	s3 =	sld [smem:$0x3FFE];
	_ =	sdelay $0x1  }
0x8a: {  	s1 =	srdreg.scid  }
0x8b: {  	s0 =	sand.u32 $0x1, s1  }
0x8c: {  	s16 =	sshll.u32 s0, $0xA;
	s2 =	sadd.s32 s3, s2  }
0x8d: {  	s2 =	sadd.s32 s2, s16  }
0x8e: {  	[smem:$0x3FBA] =	sst s2  }
0x8f: {  	_ = 	snop  }
0x90: {  	(tm) =	ssettm $0x1  }
0x91: {  	s17 =	sld [smem:$0x3FFB];
	_ =	sdelay $0x3  }
0x92: {  	_ =	strace s17  }
0x93: {  	s2 =	sld [smem:$0x3FFC];
	_ =	sdelay $0x3  }
0x94: {  	_ =	strace s2  }
0x95: {  	s2 =	sld [smem:$0x3FFD];
	_ =	sdelay $0x3  }
0x96: {  	_ =	strace s2  }
0x97: {  	_ =	strace $0x8FFFFFFF  }
0x98: {  	s18 =	sld [smem:$0x3FDB];
	_ =	sdelay $0x1  }
0x99: {  	s19 =	simm.s32 $_scs_section_size  }
0x9a: {  	s4 =	simm.s32 $_size__tile_overlayer_lowered;
	s5 =	simm.s32 $_tile_overlayer_lowered  }
0x9b: {  	s22 =	simm.s32 $0x1BFF;
	s21 =	sshll.u32 s5, $0x1;
	s2 =	sadd.s32 s19, s18  }
0x9c: {  	s6 =	simm.s32 $0x0;
	s20 =	sshll.u32 s4, $0x1;
	s4 =	sadd.s32 s21, s2  }
0x9d: {  	[timem:s6], [sflag:s22] =	dma.local [hbm:s4], s20  }
0x9e: {  	_ =	swait.ge [sflag:s22], s20  }
0x9f: {  	s3 =	ssub.s32 $0x0, s20;
	[sflag:s22] =	ssyncset.done $0x0  }
0xa0: {  	[sflag:s22] =	ssyncadd.s32 s3;
	_ =	sdelay $0x1  }
0xa1: {  	s23 =	simm.s32 $0x1B8B  }
0xa2: {  	_ =	swait.ge [sflag:s23], $0x1  }
0xa3: {  	[sflag:s23] =	ssyncset.done $0x0  }
0xa4: {  	s25 =	simm.s32 $0x1B8E;
	s24 =	sld [smem:$0x3FFE];
	[sflag:s23] =	ssyncadd.s32 $0xFFFFFFFF  }
0xa5: {  	s26 =	simm.s32 $execute0_lowered;
	[smem:$0x3FD2] =	sst s25  }
0xa6: {  	s4 =	sshll.u32 s26, $0x1;
	_ =	strace $0x80000046;
	[dreg:$0x1] =	wrdreg $0xFFFFFFFF  }
0xa7: {  	s28 =	simm.s32 $_size_execute0_lowered;
	s2 =	sadd.s32 s2, s4;
	[dreg:$0x0] =	wrdreg $0x0  }
0xa8: {  	s4 =	sshll.u32 s28, $0x1;
	[dreg:$0x2] =	wrdreg s2  }
0xa9: {  	[dreg:$0x3] =	wrdreg s4  }
0xaa: {  	[dreg:$0x4] =	wrdreg $0xC0  }
0xab: {  	_ =	task [dreg:s6], $0x5FFFF  }
0xac: {  	[dreg:$0x1] =	wrdreg $0xFFFFFFFF  }
0xad: {  	[dreg:$0x0] =	wrdreg $0x60  }
0xae: {  	[dreg:$0x2] =	wrdreg s24  }
0xaf: {  	[dreg:$0x3] =	wrdreg $0x9  }
0xb0: {  	_ =	task.clear_ibuf [dreg:s6], $0x4FFFF;
	_ =	strace $0x90000046  }
0xb1: {  	s29 =	simm.s32 $0x9;
	_ =	strace $0x80000048  }
0xb2: {  	_ =	swait.ge [sflag:s29], $0x1  }
0xb3: {  	[sflag:s29] =	ssyncadd.s32 $0xFFFFFFFF  }
0xb4: {  	_ =	strace $0x90000048  }
0xb5: {  	_ =	sfence  }
0xb6: {  	s30 =	sld [smem:$0x0];
	_ =	sdelay $0x2  }
0xb7: {  	s31 =	sshll.u32 s1, $0xD;
	s1 =	sshrl.u32 s1, $0x2  }
0xb8: {  	s3 =	sand.u32 $0x4000, s31;
	s1 =	sadd.s32 s1, s30  }
0xb9: {  	s0 =	sor.u32 s3, s0;
	s1 =	sshll.u32 s1, $0x11  }
0xba: {  	s0 =	sor.u32 s1, s0  }
0xbb: {  	s0 =	sadd.s32 $0x8F2B, s0  }
0xbc: {  	[sflag:s0] =	ssyncadd.remote.s32 $0x1  }
0xbd: {  	_ =	sfence.sel $0xFFFF  }
0xbe: {  	[dreg:$0x0] =	wrdreg $0xFFFFFFFF;
	(pc) =	sbr.abs _section_cstart, $3  }
0xbf: {  	[dreg:$0x1] =	wrdreg $0xFFFFFFFF  }
0xc0: {  	_ =	task.clear_ibuf [dreg:s6], $0x2FFFF;
	_ =	strace $0x9FFFFFFF  }
0xc1: {  	(tm) =	ssettm $0x7FFFFFFF  }
tec
execute0_lowered:
.L_overlay_start_1:
0x0: {  	(tag) =	ssettag $0x1  }
0x1: {  	s0 =	srdreg.scid  }
0x2: {  	s3 =	stileid.u32;
	s4 =	rddreg [dreg:$0x0];
	s2 =	simm.s32 $0x0  }
0x3: {  	s11 =	simm.s32 $0x4;
	s12 =	simm.s32 $0x80;
	s13 =	simm.s32 $0x1400  }
0x4: {  	s14 =	simm.s32 $0x2400;
	s16 =	simm.s32 $0x3400;
	s18 =	simm.s32 $0x4400  }
0x5: {  	s19 =	simm.s32 $0x1;
	s21 =	simm.s32 $0x5400;
	s22 =	simm.s32 $0x280  }
0x6: {  	s23 =	simm.s32 $0x6400;
	s24 =	simm.s32 $0x300;
	s28 =	simm.s32 $0x8400  }
0x7: {  	s29 =	simm.s32 $0x2;
	s30 =	simm.s32 $0x3;
	s31 =	simm.s32 $0x0  }
0x8: {  	s0 =	sand.u32 $0x1, s0;
	s1 =	sshll.u32 s3, $0x1;
	s7 =	smul.u32 $0xA0000, s3  }
0x9: {  	s1 =	sor.u32 s0, s1;
	s6 =	ssub.s32 $0x2, s0;
	s0 =	smul.u32 $0x50000, s0  }
0xa: {  	[smem:$0x7FF] =	sst s2;
	s3 =	sadd.s32 $0x2800, s4;
	s5 =	smul.u32 $0x280, s1  }
0xb: {  	_ =	strace $0x80000047;
	s1 =	smul.u32 $0x50000, s1;
	s8 =	sshrl.u32 s6, $0x1  }
0xc: {  	s6 =	ssub.s32 s6, s8;
	s0 =	sadd.s32 s0, s7;
	s5 =	sadd.s32 s5, s4  }
0xd: {  	s4 =	sadd.s32 $0x11600, s4;
	s1 =	sshrl.u32 s1, $0x4;
	s6 =	smax.u32 s6, $0x1  }
0xe: {  	s25 =	sadd.s32 $0x18000, s0;
	s9 =	sadd.s32 $0x10000, s0;
	s5 =	sadd.s32 $0xC600, s5  }
0xf: {  	s7 =	sadd.s32 s4, s1;
	s26 =	sshrl.u32 s25, $0x4;
	s25 =	simm.s32 $0x7400  }
0x10: {  	s8 =	sadd.s32 $0x800, s7;
	s10 =	sadd.s32 s26, s4;
	s26 =	simm.s32 $0x380  }
.LBB2_1:
0x11: {  	[tilespmem:s2], [sflag:$0x4] =	stream.linear.gather [hbm4b:s5+s2], $0x1400, $0x38;
	[tilespmem:$0x9400] =	vst v63  }
0x12: {  	_ =	swait.ge [sflag:s11], $0x1400  }
0x13: {  	[sflag:s11] =	ssyncset.done $0x0  }
0x14: {  	[sflag:s11] =	ssyncadd.s32 $0xFFFFEC00  }
0x15: {  	[tilespmem:s13], [sflag:$0x1] =	stream.indirect.gather [hbm4b:s3+s12], $0x20, s2, s12, $0xb8;
	[tilespmem:$0x9400] =	vst v63  }
0x16: {  	_ = 	snop  }
0x17: {  	[tilespmem:s14], [sflag:$0x1] =	stream.indirect.gather [hbm4b:s3+s12], $0x20, s12, s12, $0xb8;
	[tilespmem:$0x9400] =	vst v63  }
0x18: {  	s0 =	simm.s32 $0x100  }
0x19: {  	[tilespmem:s16], [sflag:$0x1] =	stream.indirect.gather [hbm4b:s3+s12], $0x20, s0, s12, $0xb8;
	[tilespmem:$0x9400] =	vst v63  }
0x1a: {  	s15 =	simm.s32 $0x180  }
0x1b: {  	[tilespmem:s18], [sflag:$0x1] =	stream.indirect.gather [hbm4b:s3+s12], $0x20, s15, s12, $0xb8;
	[tilespmem:$0x9400] =	vst v63  }
0x1c: {  	_ =	swait.ge [sflag:s19], $0x1000  }
0x1d: {  	[sflag:s19] =	ssyncset.done $0x0  }
0x1e: {  	[sflag:s19] =	ssyncadd.s32 $0xFFFFF000  }
0x1f: {  	_ =	swait.ge [sflag:s19], $0x1000  }
0x20: {  	[sflag:s19] =	ssyncset.done $0x0  }
0x21: {  	[sflag:s19] =	ssyncadd.s32 $0xFFFFF000  }
0x22: {  	_ =	swait.ge [sflag:s19], $0x1000  }
0x23: {  	[sflag:s19] =	ssyncset.done $0x0  }
0x24: {  	[sflag:s19] =	ssyncadd.s32 $0xFFFFF000  }
0x25: {  	_ =	swait.ge [sflag:s19], $0x1000  }
0x26: {  	[sflag:s19] =	ssyncset.done $0x0  }
0x27: {  	[sflag:s19] =	ssyncadd.s32 $0xFFFFF000  }
0x28: {  	[hbm4b:s7+s2] =	stream.linear.scatter [tilespmem:s13], [sflag:$0x2], $0x4000, $0x38;
	[tilespmem:$0x9400] =	vst v63  }
0x29: {  	s17 =	simm.s32 $0x200  }
0x2a: {  	[tilespmem:s21], [sflag:$0x1] =	stream.indirect.gather [hbm4b:s3+s12], $0x20, s17, s12, $0xb8;
	[tilespmem:$0x9400] =	vst v63  }
0x2b: {  	_ = 	snop  }
0x2c: {  	[tilespmem:s23], [sflag:$0x1] =	stream.indirect.gather [hbm4b:s3+s12], $0x20, s22, s12, $0xb8;
	[tilespmem:$0x9400] =	vst v63  }
0x2d: {  	_ = 	snop  }
0x2e: {  	[tilespmem:s25], [sflag:$0x1] =	stream.indirect.gather [hbm4b:s3+s12], $0x20, s24, s12, $0xb8;
	[tilespmem:$0x9400] =	vst v63  }
0x2f: {  	_ = 	snop  }
0x30: {  	[tilespmem:s28], [sflag:$0x1] =	stream.indirect.gather [hbm4b:s3+s12], $0x20, s26, s12, $0xb8;
	[tilespmem:$0x9400] =	vst v63  }
0x31: {  	_ =	swait.ge [sflag:s19], $0x1000  }
0x32: {  	[sflag:s19] =	ssyncset.done $0x0  }
0x33: {  	[sflag:s19] =	ssyncadd.s32 $0xFFFFF000  }
0x34: {  	_ =	swait.ge [sflag:s19], $0x1000  }
0x35: {  	[sflag:s19] =	ssyncset.done $0x0  }
0x36: {  	[sflag:s19] =	ssyncadd.s32 $0xFFFFF000  }
0x37: {  	_ =	swait.ge [sflag:s19], $0x1000  }
0x38: {  	[sflag:s19] =	ssyncset.done $0x0  }
0x39: {  	[sflag:s19] =	ssyncadd.s32 $0xFFFFF000  }
0x3a: {  	_ =	swait.ge [sflag:s19], $0x1000  }
0x3b: {  	[sflag:s19] =	ssyncset.done $0x0  }
0x3c: {  	[sflag:s19] =	ssyncadd.s32 $0xFFFFF000  }
0x3d: {  	[hbm4b:s8+s2] =	stream.linear.scatter [tilespmem:s21], [sflag:$0x3], $0x4000, $0x38;
	[tilespmem:$0x9400] =	vst v63  }
0x3e: {  	_ =	swait.ge [sflag:s29], $0x4000  }
0x3f: {  	[sflag:s29] =	ssyncset.done $0x0  }
0x40: {  	s20 =	simm.s32 $0x400;
	[sflag:s29] =	ssyncadd.s32 $0xFFFFC000  }
0x41: {  	[tilespmem:s13], [sflag:$0x1] =	stream.indirect.gather [hbm4b:s3+s12], $0x20, s20, s12, $0xb8;
	[tilespmem:$0x9400] =	vst v63  }
0x42: {  	s1 =	simm.s32 $0x480  }
0x43: {  	[tilespmem:s14], [sflag:$0x1] =	stream.indirect.gather [hbm4b:s3+s12], $0x20, s1, s12, $0xb8;
	[tilespmem:$0x9400] =	vst v63  }
0x44: {  	s15 =	simm.s32 $0x500  }
0x45: {  	[tilespmem:s16], [sflag:$0x1] =	stream.indirect.gather [hbm4b:s3+s12], $0x20, s15, s12, $0xb8;
	[tilespmem:$0x9400] =	vst v63  }
0x46: {  	s17 =	simm.s32 $0x580  }
0x47: {  	[tilespmem:s18], [sflag:$0x1] =	stream.indirect.gather [hbm4b:s3+s12], $0x20, s17, s12, $0xb8;
	[tilespmem:$0x9400] =	vst v63  }
0x48: {  	_ =	swait.ge [sflag:s19], $0x1000  }
0x49: {  	[sflag:s19] =	ssyncset.done $0x0  }
0x4a: {  	[sflag:s19] =	ssyncadd.s32 $0xFFFFF000  }
0x4b: {  	_ =	swait.ge [sflag:s19], $0x1000  }
0x4c: {  	[sflag:s19] =	ssyncset.done $0x0  }
0x4d: {  	[sflag:s19] =	ssyncadd.s32 $0xFFFFF000  }
0x4e: {  	_ =	swait.ge [sflag:s19], $0x1000  }
0x4f: {  	[sflag:s19] =	ssyncset.done $0x0  }
0x50: {  	[sflag:s19] =	ssyncadd.s32 $0xFFFFF000  }
0x51: {  	_ =	swait.ge [sflag:s19], $0x1000  }
0x52: {  	s20 =	sshrl.u32 s9, $0x4;
	[sflag:s19] =	ssyncset.done $0x0  }
0x53: {  	s0 =	sadd.s32 s4, s20;
	[sflag:s19] =	ssyncadd.s32 $0xFFFFF000  }
0x54: {  	[hbm4b:s0+s2] =	stream.linear.scatter [tilespmem:s13], [sflag:$0x2], $0x4000, $0x38;
	[tilespmem:$0x9400] =	vst v63  }
0x55: {  	_ =	swait.ge [sflag:s30], $0x4000  }
0x56: {  	[sflag:s30] =	ssyncset.done $0x0  }
0x57: {  	s1 =	simm.s32 $0x600;
	[sflag:s30] =	ssyncadd.s32 $0xFFFFC000  }
0x58: {  	[tilespmem:s21], [sflag:$0x1] =	stream.indirect.gather [hbm4b:s3+s12], $0x20, s1, s12, $0xb8;
	[tilespmem:$0x9400] =	vst v63  }
0x59: {  	s15 =	simm.s32 $0x680  }
0x5a: {  	[tilespmem:s23], [sflag:$0x1] =	stream.indirect.gather [hbm4b:s3+s12], $0x20, s15, s12, $0xb8;
	[tilespmem:$0x9400] =	vst v63  }
0x5b: {  	s17 =	simm.s32 $0x700  }
0x5c: {  	[tilespmem:s25], [sflag:$0x1] =	stream.indirect.gather [hbm4b:s3+s12], $0x20, s17, s12, $0xb8;
	[tilespmem:$0x9400] =	vst v63  }
0x5d: {  	s20 =	simm.s32 $0x780  }
0x5e: {  	[tilespmem:s28], [sflag:$0x1] =	stream.indirect.gather [hbm4b:s3+s12], $0x20, s20, s12, $0xb8;
	[tilespmem:$0x9400] =	vst v63  }
0x5f: {  	_ =	swait.ge [sflag:s19], $0x1000  }
0x60: {  	[sflag:s19] =	ssyncset.done $0x0  }
0x61: {  	[sflag:s19] =	ssyncadd.s32 $0xFFFFF000  }
0x62: {  	_ =	swait.ge [sflag:s19], $0x1000  }
0x63: {  	[sflag:s19] =	ssyncset.done $0x0  }
0x64: {  	[sflag:s19] =	ssyncadd.s32 $0xFFFFF000  }
0x65: {  	_ =	swait.ge [sflag:s19], $0x1000  }
0x66: {  	[sflag:s19] =	ssyncset.done $0x0  }
0x67: {  	[sflag:s19] =	ssyncadd.s32 $0xFFFFF000  }
0x68: {  	_ =	swait.ge [sflag:s19], $0x1000  }
0x69: {  	s0 =	sadd.s32 $0x10000, s9;
	[sflag:s19] =	ssyncset.done $0x0  }
0x6a: {  	s1 =	simm.s32 $0x1000;
	s15 =	sadd.s32 $0x0, s10;
	[sflag:s19] =	ssyncadd.s32 $0xFFFFF000  }
.LBB2_2:
0x6b: {  	[hbm4b:s15+s2] =	stream.linear.scatter [tilespmem:s21], [sflag:$0x3], $0x4000, $0x38;
	[tilespmem:$0x9400] =	vst v63  }
0x6c: {  	s15 =	smov.u32 s1  }
0x6d: {  	p0 =	sne.s32 s1, $0x3000;
	s1 =	sadd.s32 $0x1000, s1;
	_ =	swait.ge [sflag:s29], $0x4000  }
0x6e: {  	s17 =	sshra.s32 s15, $0x2;
	[sflag:s29] =	ssyncset.done $0x0  }
0x6f: {  	s20 =	sadd.s32 $0x400, s17;
	[sflag:s29] =	ssyncadd.s32 $0xFFFFC000  }
0x70: {  	[tilespmem:s13], [sflag:$0x1] =	stream.indirect.gather [hbm4b:s3+s12], $0x20, s20, s12, $0xb8;
	[tilespmem:$0x9400] =	vst v63  }
0x71: {  	s20 =	sadd.s32 $0x480, s17  }
0x72: {  	[tilespmem:s14], [sflag:$0x1] =	stream.indirect.gather [hbm4b:s3+s12], $0x20, s20, s12, $0xb8;
	[tilespmem:$0x9400] =	vst v63  }
0x73: {  	s20 =	sadd.s32 $0x500, s17  }
0x74: {  	[tilespmem:s16], [sflag:$0x1] =	stream.indirect.gather [hbm4b:s3+s12], $0x20, s20, s12, $0xb8;
	[tilespmem:$0x9400] =	vst v63  }
0x75: {  	s20 =	sadd.s32 $0x580, s17  }
0x76: {  	[tilespmem:s18], [sflag:$0x1] =	stream.indirect.gather [hbm4b:s3+s12], $0x20, s20, s12, $0xb8;
	[tilespmem:$0x9400] =	vst v63  }
0x77: {  	_ =	swait.ge [sflag:s19], $0x1000  }
0x78: {  	[sflag:s19] =	ssyncset.done $0x0  }
0x79: {  	[sflag:s19] =	ssyncadd.s32 $0xFFFFF000  }
0x7a: {  	_ =	swait.ge [sflag:s19], $0x1000  }
0x7b: {  	[sflag:s19] =	ssyncset.done $0x0  }
0x7c: {  	[sflag:s19] =	ssyncadd.s32 $0xFFFFF000  }
0x7d: {  	_ =	swait.ge [sflag:s19], $0x1000  }
0x7e: {  	[sflag:s19] =	ssyncset.done $0x0  }
0x7f: {  	[sflag:s19] =	ssyncadd.s32 $0xFFFFF000  }
0x80: {  	_ =	swait.ge [sflag:s19], $0x1000  }
0x81: {  	s20 =	sshrl.u32 s0, $0x4;
	[sflag:s19] =	ssyncset.done $0x0  }
0x82: {  	s20 =	sadd.s32 s4, s20;
	[sflag:s19] =	ssyncadd.s32 $0xFFFFF000  }
0x83: {  	[hbm4b:s20+s2] =	stream.linear.scatter [tilespmem:s13], [sflag:$0x2], $0x4000, $0x38;
	[tilespmem:$0x9400] =	vst v63  }
0x84: {  	_ =	swait.ge [sflag:s30], $0x4000  }
0x85: {  	[sflag:s30] =	ssyncset.done $0x0  }
0x86: {  	s20 =	sadd.s32 $0x600, s17;
	[sflag:s30] =	ssyncadd.s32 $0xFFFFC000  }
0x87: {  	[tilespmem:s21], [sflag:$0x1] =	stream.indirect.gather [hbm4b:s3+s12], $0x20, s20, s12, $0xb8;
	[tilespmem:$0x9400] =	vst v63  }
0x88: {  	s20 =	sadd.s32 $0x680, s17  }
0x89: {  	[tilespmem:s23], [sflag:$0x1] =	stream.indirect.gather [hbm4b:s3+s12], $0x20, s20, s12, $0xb8;
	[tilespmem:$0x9400] =	vst v63  }
0x8a: {  	s20 =	sadd.s32 $0x700, s17  }
0x8b: {  	[tilespmem:s25], [sflag:$0x1] =	stream.indirect.gather [hbm4b:s3+s12], $0x20, s20, s12, $0xb8;
	[tilespmem:$0x9400] =	vst v63  }
0x8c: {  	s17 =	sadd.s32 $0x780, s17  }
0x8d: {  	[tilespmem:s28], [sflag:$0x1] =	stream.indirect.gather [hbm4b:s3+s12], $0x20, s17, s12, $0xb8;
	[tilespmem:$0x9400] =	vst v63  }
0x8e: {  	_ =	swait.ge [sflag:s19], $0x1000  }
0x8f: {  	[sflag:s19] =	ssyncset.done $0x0  }
0x90: {  	[sflag:s19] =	ssyncadd.s32 $0xFFFFF000  }
0x91: {  	_ =	swait.ge [sflag:s19], $0x1000  }
0x92: {  	[sflag:s19] =	ssyncset.done $0x0  }
0x93: {  	[sflag:s19] =	ssyncadd.s32 $0xFFFFF000  }
0x94: {  	_ =	swait.ge [sflag:s19], $0x1000  }
.Ltmp0:
0x95: {  	[sflag:s19] =	ssyncset.done $0x0;
	(pc) =	sbr.rel @p0 .LBB2_2-.Ltmp0, $4  }
0x96: {  	[sflag:s19] =	ssyncadd.s32 $0xFFFFF000  }
0x97: {  	_ =	swait.ge [sflag:s19], $0x1000  }
0x98: {  	[sflag:s19] =	ssyncset.done $0x0  }
0x99: {  	s15 =	sadd.s32 s15, s10;
	s0 =	sadd.s32 $0x10000, s0;
	[sflag:s19] =	ssyncadd.s32 $0xFFFFF000  }
0x9a: {  	[hbm4b:s15+s2] =	stream.linear.scatter [tilespmem:s21], [sflag:$0x3], $0x4000, $0x38;
	[tilespmem:$0x9400] =	vst v63  }
0x9b: {  	s31 =	sadd.s32 $0x1, s31  }
0x9c: {  	_ =	swait.ge [sflag:s29], $0x4000;
	p0 =	sne.s32 s31, s6  }
.Ltmp1:
0x9d: {  	[sflag:s29] =	ssyncset.done $0x0;
	(pc) =	sbr.rel @p0 .LBB2_1-.Ltmp1, $4  }
0x9e: {  	[sflag:s29] =	ssyncadd.s32 $0xFFFFC000  }
0x9f: {  	_ =	swait.ge [sflag:s30], $0x4000  }
0xa0: {  	[sflag:s30] =	ssyncset.done $0x0  }
0xa1: {  	[sflag:s30] =	ssyncadd.s32 $0xFFFFC000  }
0xa2: {  	_ =	sfence.sel $0x180000  }
0xa3: {  	[bflag:$0x0] =	sbarrier.arrive $0xFFFF  }
0xa4: {  	_ =	strace $0x90000047  }
0xa5: {  	s0 =	stileid.u32;
	[bflag:$0x2] =	sbarrier.arrive $0xFFFF  }
0xa6: {  	p0 =	sne.s32 s0, $0x0;
	s0 =	rddreg [dreg:$0x1]  }
0xa7: {  	s0 =	sadd.s32 @!p0 $0x100000, s0  }
0xa8: {  	[sflag:s0] =	ssyncadd.tile.s32 @!p0 $0x1;
	_ =	shalt  }
.Lfunc_end2:
_tile_overlayer_lowered:
.L_overlay_start_2:
0xa9: {  	(tag) =	ssettag $0x2  }
0xaa: {  	s0 =	rddreg [dreg:$0x0];
	s2 =	stileid.u32  }
0xab: {  	s1 =	rddreg [dreg:$0x1];
	p0 =	sne.s32 s2, $0x0  }
0xac: {  	s3 =	rddreg [dreg:$0x2];
	[bflag:$0x3] =	sbarrier.arrive $0xFFFF;
	s2 =	simm.s32 @!p0 $0x1C04  }
0xad: {  	[timem:s3], [sflag:s2] =	dma.local @!p0 [hbm:s0], s1  }
0xae: {  	s0 =	simm.s32 @!p0 $0x4  }
0xaf: {  	_ =	swait.ge @!p0 [sflag:s0], s1  }
0xb0: {  	s1 =	ssub.s32 @!p0 $0x0, s1;
	[sflag:s0] =	ssyncset.done @!p0 $0x0  }
0xb1: {  	[sflag:s0] =	ssyncadd.s32 @!p0 s1  }
0xb2: {  	[bflag:$0x3] =	sbarrier.arrive $0xFFFF  }
0xb3: {  	_ =	shalt  }

// kernel: kernel.9.cloned.1.call-start
scs
__scs_entry_jumppad:
0x0: {  	(pc) =	sbr.rel $0x88, $3  }
0x1: {  	(tag) =	ssettag $0x0;
	lr =	simm.s32 $0x1  }
0x2: {  	[smem:$0x3F93] =	sst lr;
	_ =	strace $0xD0000000  }
0x3: {  	_ = 	snop  }
0x4: {  	_ = 	snop  }
0x5: {  	_ = 	snop  }
0x6: {  	_ = 	snop  }
0x7: {  	_ = 	snop  }
__scs_overlays_trampoline_lowered:
0x8: {  	[smem:$0x3FA2] =	sst s0  }
0x9: {  	[smem:$0x3FA3] =	sst s1  }
0xa: {  	[smem:$0x3FA4] =	sst s2  }
0xb: {  	[smem:$0x3FA5] =	sst s3  }
0xc: {  	[smem:$0x3FA6] =	sst s4  }
0xd: {  	[smem:$0x3FA7] =	sst s5  }
0xe: {  	[smem:$0x3FA8] =	sst s6  }
0xf: {  	[smem:$0x3FA9] =	sst s7  }
0x10: {  	[smem:$0x3FAA] =	sst s8  }
0x11: {  	[smem:$0x3FAB] =	sst s9;
	s0 =	simm.s32 @!p0 $0x0  }
0x12: {  	s1 =	sld [smem:$0x3F91];
	s0 =	simm.s32 @p0 $0x1  }
0x13: {  	[smem:$0x3FAC] =	sst s0;
	s0 =	simm.s32 @!p1 $0x0  }
0x14: {  	s2 =	sld [smem:$0x3F90];
	s0 =	simm.s32 @p1 $0x1  }
0x15: {  	[smem:$0x3FAD] =	sst s0;
	s0 =	simm.s32 @!p2 $0x0  }
0x16: {  	s3 =	sld [smem:$0x3FDB];
	s0 =	simm.s32 @p2 $0x1  }
0x17: {  	s4 =	simm.s32 $0x1BF5;
	[smem:$0x3FAF] =	sst s0  }
0x18: {  	s0 =	sld [smem:$0x3F92];
	_ =	swait.ge [sflag:s4], $0x0  }
0x19: {  	s7 =	sld [smem:$0x3F93]  }
0x1a: {  	s8 =	sadd.s32 $0xFFFFE003, lr  }
0x1b: {  	s9 =	sadd.s32 $0xFFFFFEF7, lr;
	s5 =	simm.s32 $0xFFFFFFFF;
	p2 =	slt.u32 s8, $0xFFFFF086  }
0x1c: {  	p1 =	slt.u32 s9, $0xF7A;
	s5 =	simm.s32 @!p2 $0x0  }
0x1d: {  	s5 =	simm.s32 @p1 $0x1;
	p0 =	seq.s32 s7, s2  }
0x1e: {  	s7 =	smul.u32 @!p0 $0xF7A, s2;
	p2 =	seq.s32 @!p0 s5, $0x0  }
0x1f: {  	s9 =	smul.u32 $0xF7A, s1;
	s8 =	simm.s32 @!p0 $0x1BF5;
	p2 =	por !p2, p0  }
0x20: {  	[sflag:s8] =	ssyncset.s32 @!p0 $0xFFFFF086;
	s6 =	sadd.s32 @!p0 s3, s7;
	s7 =	simm.s32 @!p0 $0x108  }
0x21: {  	s3 =	sadd.s32 s3, s9;
	s6 =	sadd.s32 @!p0 $0x88, s6;
	s7 =	simm.s32 @p2 $0x1082  }
0x22: {  	[simem:s7], [sflag:s8] =	dma.local @!p0 [hbm:s6], $0xF7A  }
0x23: {  	s9 =	sor.u32 $0xD0000000, s2;
	s6 =	simm.s32 $0x108;
	_ =	swait.ge @!p0 [sflag:s8], $0x0  }
0x24: {  	s3 =	sadd.s32 $0x88, s3;
	s6 =	simm.s32 @!p1 $0x1082;
	[sflag:s4] =	ssyncset.s32 $0xFFFFF086  }
0x25: {  	[simem:s6], [sflag:s4] =	dma.local [hbm:s3], $0xF7A  }
0x26: {  	[smem:$0x3F93] =	sst s1;
	(tag) =	ssettag s2;
	_ =	strace s9  }
0x27: {  	s1 =	sld [smem:$0x3FA3]  }
0x28: {  	s2 =	sld [smem:$0x3FA4]  }
0x29: {  	s4 =	sld [smem:$0x3FA6]  }
0x2a: {  	p0 =	seq.s32 s5, $0x0;
	s5 =	sld [smem:$0x3FA7]  }
0x2b: {  	s6 =	sld [smem:$0x3FA8]  }
0x2c: {  	s7 =	sld [smem:$0x3FA9]  }
0x2d: {  	s3 =	simm.s32 $0x108;
	s8 =	sld [smem:$0x3FAA]  }
0x2e: {  	s3 =	simm.s32 @!p0 $0x1082;
	s9 =	sld [smem:$0x3FAB]  }
0x2f: {  	lr =	sadd.s32 s0, s3;
	s0 =	sld [smem:$0x3FA2]  }
0x30: {  	s3 =	sld [smem:$0x3FA5]  }
0x31: {  	[smem:$0x3FAE] =	sst s10  }
0x32: {  	s10 =	sld [smem:$0x3FAC];
	_ =	sdelay $0x3  }
0x33: {  	p0 =	seq.s32 s10, $0x1;
	s10 =	sld [smem:$0x3FAE];
	_ =	sdelay $0x3  }
0x34: {  	[smem:$0x3FAE] =	sst s10  }
0x35: {  	s10 =	sld [smem:$0x3FAD];
	_ =	sdelay $0x3  }
0x36: {  	p1 =	seq.s32 s10, $0x1;
	s10 =	sld [smem:$0x3FAE];
	_ =	sdelay $0x3  }
0x37: {  	[smem:$0x3FAE] =	sst s10  }
0x38: {  	s10 =	sld [smem:$0x3FAF]  }
0x39: {  	_ = 	snop;
	(pc) =	sbr.ind lr, $3  }
0x3a: {  	_ = 	snop  }
0x3b: {  	_ = 	snop  }
0x3c: {  	p2 =	seq.s32 s10, $0x1;
	s10 =	sld [smem:$0x3FAE]  }
0x3d: {  	_ =	shalt  }
0x3e: {  	_ =	shalt  }
0x3f: {  	_ =	shalt  }
0x40: {  	_ =	shalt  }
0x41: {  	_ =	shalt  }
0x42: {  	_ =	shalt  }
0x43: {  	_ =	shalt  }
0x44: {  	_ =	shalt  }
0x45: {  	_ =	shalt  }
0x46: {  	_ =	shalt  }
0x47: {  	_ =	shalt  }
0x48: {  	_ =	shalt  }
0x49: {  	_ =	shalt  }
0x4a: {  	_ =	shalt  }
0x4b: {  	_ =	shalt  }
0x4c: {  	_ =	shalt  }
0x4d: {  	_ =	shalt  }
0x4e: {  	_ =	shalt  }
0x4f: {  	_ =	shalt  }
0x50: {  	_ =	shalt  }
0x51: {  	_ =	shalt  }
0x52: {  	_ =	shalt  }
0x53: {  	_ =	shalt  }
0x54: {  	_ =	shalt  }
0x55: {  	_ =	shalt  }
0x56: {  	_ =	shalt  }
0x57: {  	_ =	shalt  }
0x58: {  	_ =	shalt  }
0x59: {  	_ =	shalt  }
0x5a: {  	_ =	shalt  }
0x5b: {  	_ =	shalt  }
0x5c: {  	_ =	shalt  }
0x5d: {  	_ =	shalt  }
0x5e: {  	_ =	shalt  }
0x5f: {  	_ =	shalt  }
0x60: {  	_ =	shalt  }
0x61: {  	_ =	shalt  }
0x62: {  	_ =	shalt  }
0x63: {  	_ =	shalt  }
0x64: {  	_ =	shalt  }
0x65: {  	_ =	shalt  }
0x66: {  	_ =	shalt  }
0x67: {  	_ =	shalt  }
0x68: {  	_ =	shalt  }
0x69: {  	_ =	shalt  }
0x6a: {  	_ =	shalt  }
0x6b: {  	_ =	shalt  }
0x6c: {  	_ =	shalt  }
0x6d: {  	_ =	shalt  }
0x6e: {  	_ =	shalt  }
0x6f: {  	_ =	shalt  }
0x70: {  	_ =	shalt  }
0x71: {  	_ =	shalt  }
0x72: {  	_ =	shalt  }
0x73: {  	_ =	shalt  }
0x74: {  	_ =	shalt  }
0x75: {  	_ =	shalt  }
0x76: {  	_ =	shalt  }
0x77: {  	_ =	shalt  }
0x78: {  	_ =	shalt  }
0x79: {  	_ =	shalt  }
0x7a: {  	_ =	shalt  }
0x7b: {  	_ =	shalt  }
0x7c: {  	_ =	shalt  }
0x7d: {  	_ =	shalt  }
0x7e: {  	_ =	shalt  }
0x7f: {  	_ =	shalt  }
0x80: {  	_ =	shalt  }
0x81: {  	_ =	shalt  }
0x82: {  	_ =	shalt  }
0x83: {  	_ =	shalt  }
0x84: {  	_ =	shalt  }
0x85: {  	_ =	shalt  }
0x86: {  	_ =	shalt  }
0x87: {  	_ =	shalt  }
.Lfunc_end0:
.L_simem_size_0:
called_computation.1_lowered:
.L_overlay_start_0:
0x88: {  	s2 =	sld [smem:$0x3FD9]  }
0x89: {  	s3 =	sld [smem:$0x3FFE];
	_ =	sdelay $0x1  }
0x8a: {  	s1 =	srdreg.scid  }
0x8b: {  	s0 =	sand.u32 $0x1, s1  }
0x8c: {  	s16 =	sshll.u32 s0, $0xA;
	s2 =	sadd.s32 s3, s2  }
0x8d: {  	s2 =	sadd.s32 s2, s16  }
0x8e: {  	[smem:$0x3FBA] =	sst s2  }
0x8f: {  	_ = 	snop  }
0x90: {  	(tm) =	ssettm $0x1  }
0x91: {  	s17 =	sld [smem:$0x3FFB];
	_ =	sdelay $0x3  }
0x92: {  	_ =	strace s17  }
0x93: {  	s2 =	sld [smem:$0x3FFC];
	_ =	sdelay $0x3  }
0x94: {  	_ =	strace s2  }
0x95: {  	s2 =	sld [smem:$0x3FFD];
	_ =	sdelay $0x3  }
0x96: {  	_ =	strace s2  }
0x97: {  	_ =	strace $0x8FFFFFFF  }
0x98: {  	s18 =	sld [smem:$0x3FDB];
	_ =	sdelay $0x1  }
0x99: {  	s19 =	simm.s32 $_scs_section_size  }
0x9a: {  	s4 =	simm.s32 $_size__tile_overlayer_lowered;
	s5 =	simm.s32 $_tile_overlayer_lowered  }
0x9b: {  	s22 =	simm.s32 $0x1BFF;
	s21 =	sshll.u32 s5, $0x1;
	s2 =	sadd.s32 s19, s18  }
0x9c: {  	s6 =	simm.s32 $0x0;
	s20 =	sshll.u32 s4, $0x1;
	s4 =	sadd.s32 s21, s2  }
0x9d: {  	[timem:s6], [sflag:s22] =	dma.local [hbm:s4], s20  }
0x9e: {  	_ =	swait.ge [sflag:s22], s20  }
0x9f: {  	s3 =	ssub.s32 $0x0, s20;
	[sflag:s22] =	ssyncset.done $0x0  }
0xa0: {  	[sflag:s22] =	ssyncadd.s32 s3;
	_ =	sdelay $0x1  }
0xa1: {  	s23 =	simm.s32 $0x1B8B  }
0xa2: {  	_ =	swait.ge [sflag:s23], $0x1  }
0xa3: {  	[sflag:s23] =	ssyncset.done $0x0  }
0xa4: {  	s25 =	simm.s32 $0x1B8E;
	s24 =	sld [smem:$0x3FFE];
	[sflag:s23] =	ssyncadd.s32 $0xFFFFFFFF  }
0xa5: {  	s26 =	simm.s32 $execute0_lowered;
	[smem:$0x3FD2] =	sst s25  }
0xa6: {  	s4 =	sshll.u32 s26, $0x1;
	_ =	strace $0x80000049;
	[dreg:$0x1] =	wrdreg $0xFFFFFFFF  }
0xa7: {  	s28 =	simm.s32 $_size_execute0_lowered;
	s2 =	sadd.s32 s2, s4;
	[dreg:$0x0] =	wrdreg $0x0  }
0xa8: {  	s4 =	sshll.u32 s28, $0x1;
	[dreg:$0x2] =	wrdreg s2  }
0xa9: {  	[dreg:$0x3] =	wrdreg s4  }
0xaa: {  	[dreg:$0x4] =	wrdreg $0xC0  }
0xab: {  	_ =	task [dreg:s6], $0x5FFFF  }
0xac: {  	[dreg:$0x1] =	wrdreg $0xFFFFFFFF  }
0xad: {  	[dreg:$0x0] =	wrdreg $0x60  }
0xae: {  	[dreg:$0x2] =	wrdreg s24  }
0xaf: {  	[dreg:$0x3] =	wrdreg $0xA4000  }
0xb0: {  	[dreg:$0x4] =	wrdreg $0x9  }
0xb1: {  	_ =	task.clear_ibuf [dreg:s6], $0x5FFFF;
	_ =	strace $0x90000049  }
0xb2: {  	s29 =	simm.s32 $0x9;
	_ =	strace $0x8000004B  }
0xb3: {  	_ =	swait.ge [sflag:s29], $0x1  }
0xb4: {  	[sflag:s29] =	ssyncadd.s32 $0xFFFFFFFF  }
0xb5: {  	_ =	strace $0x9000004B  }
0xb6: {  	_ =	sfence  }
0xb7: {  	s30 =	sld [smem:$0x0];
	_ =	sdelay $0x2  }
0xb8: {  	s31 =	sshll.u32 s1, $0xD;
	s1 =	sshrl.u32 s1, $0x2  }
0xb9: {  	s3 =	sand.u32 $0x4000, s31;
	s1 =	sadd.s32 s1, s30  }
0xba: {  	s0 =	sor.u32 s3, s0;
	s1 =	sshll.u32 s1, $0x11  }
0xbb: {  	s0 =	sor.u32 s1, s0  }
0xbc: {  	s0 =	sadd.s32 $0x8F2B, s0  }
0xbd: {  	[sflag:s0] =	ssyncadd.remote.s32 $0x1  }
0xbe: {  	_ =	sfence.sel $0xFFFF  }
0xbf: {  	[dreg:$0x0] =	wrdreg $0xFFFFFFFF;
	(pc) =	sbr.abs _section_cstart, $3  }
0xc0: {  	[dreg:$0x1] =	wrdreg $0xFFFFFFFF  }
0xc1: {  	_ =	task.clear_ibuf [dreg:s6], $0x2FFFF;
	_ =	strace $0x9FFFFFFF  }
0xc2: {  	(tm) =	ssettm $0x7FFFFFFF  }
0xc3: {  	_ =	shalt  }
tec
execute0_lowered:
.L_overlay_start_1:
0x0: {  	(tag) =	ssettag $0x1  }
0x1: {  	s5 =	rddreg [dreg:$0x0];
	s1 =	srdreg.scid  }
0x2: {  	s0 =	stileid.u32;
	s2 =	rddreg [dreg:$0x1];
	s12 =	simm.s32 $0x1400  }
0x3: {  	s13 =	simm.s32 $0x80;
	s14 =	simm.s32 $0x2400;
	s4 =	smul.u32 $0x50000, s0  }
0x4: {  	s15 =	simm.s32 $0x3400;
	s16 =	simm.s32 $0x4400;
	s30 =	smul.u32 $0xA00, s0  }
0x5: {  	s17 =	simm.s32 $0x0;
	s6 =	sand.u32 $0x1, s1;
	s11 =	smul.u32 $0x14000, s0  }
0x6: {  	s29 =	sshll.u32 s0, $0x1;
	s1 =	rddreg [dreg:$0x2];
	s7 =	smul.u32 $0x28000, s6  }
0x7: {  	s3 =	sor.u32 s6, s29;
	s9 =	smul.u32 $0xA000, s6;
	s6 =	ssub.s32 $0x2, s6  }
0x8: {  	s8 =	smul.u32 $0x280, s3;
	s3 =	simm.s32 $0x0;
	s31 =	sshrl.u32 s6, $0x1  }
0x9: {  	s11 =	sshrl.u32 s11, $0x2;
	s4 =	sadd.s32 s7, s4;
	[smem:$0x7FF] =	sst s3  }
0xa: {  	s7 =	sadd.s32 s30, s9;
	s9 =	ssub.s32 s6, s31;
	s4 =	sshrl.u32 s4, $0x3  }
0xb: {  	_ =	strace $0x8000004A;
	s8 =	sadd.s32 s8, s5;
	s7 =	sadd.s32 s7, s5  }
0xc: {  	s10 =	sadd.s32 s4, s5;
	s4 =	sadd.s32 $0x2800, s5;
	s5 =	sadd.s32 s11, s2  }
0xd: {  	s6 =	sadd.s32 $0x1E9E00, s8;
	s7 =	sadd.s32 $0x3200, s7;
	s8 =	smax.u32 s9, $0x1  }
0xe: {  	s11 =	simm.s32 $0x1;
	s9 =	sadd.s32 $0x1EEE00, s10;
	s10 =	simm.s32 $0x5400  }
.LBB2_1:
0xf: {  	[tilespmem:s10], [sflag:$0x1] =	stream.linear.gather [hbm4b:s4+s3], $0x5000, $0x38;
	[tilespmem:$0xF400] =	vst v63  }
0x10: {  	_ =	swait.ge [sflag:s11], $0x5000  }
0x11: {  	[sflag:s11] =	ssyncset.done $0x0  }
0x12: {  	[sflag:s11] =	ssyncadd.s32 $0xFFFFB000  }
0x13: {  	[spmem:s5] =	stream.linear.scatter [tilespmem:s10], [sflag:$0x1], $0x5000, $0x38;
	[tilespmem:$0xF400] =	vst v63  }
0x14: {  	_ =	swait.ge [sflag:s11], $0x5000  }
0x15: {  	[sflag:s11] =	ssyncset.done $0x0  }
0x16: {  	[sflag:s11] =	ssyncadd.s32 $0xFFFFB000  }
0x17: {  	[tilespmem:s3], [sflag:$0x1] =	stream.linear.gather [hbm4b:s6+s3], $0x1400, $0x38;
	[tilespmem:$0xF400] =	vst v63  }
0x18: {  	_ =	swait.ge [sflag:s11], $0x1400  }
0x19: {  	[sflag:s11] =	ssyncset.done $0x0  }
0x1a: {  	[sflag:s11] =	ssyncadd.s32 $0xFFFFEC00  }
0x1b: {  	s18 =	sadd.s32 $0x0, s9;
	[bflag:$0x0] =	sbarrier.arrive $0xFFFF  }
0x1c: {  	[tilespmem:s12], [sflag:$0x1] =	stream.linear.gather [hbm4b:s18+s3], $0x4000, $0x38;
	[tilespmem:$0xF400] =	vst v63  }
0x1d: {  	_ =	swait.ge [sflag:s11], $0x4000  }
0x1e: {  	[sflag:s11] =	ssyncset.done $0x0  }
0x1f: {  	s28 =	simm.s32 $0x0;
	[sflag:s11] =	ssyncadd.s32 $0xFFFFC000  }
0x20: {  	[spmem:s2] =	stream.indirect.scatter.add.f32 [tilespmem:s12], [sflag:$0x1], $0x20, s28, s13, $0xb8;
	[tilespmem:$0xF400] =	vst v63  }
0x21: {  	_ =	swait.ge [sflag:s11], $0x1000  }
0x22: {  	[sflag:s11] =	ssyncset.done $0x0  }
0x23: {  	s29 =	simm.s32 $0x80;
	[sflag:s11] =	ssyncadd.s32 $0xFFFFF000  }
0x24: {  	[spmem:s2] =	stream.indirect.scatter.add.f32 [tilespmem:s14], [sflag:$0x1], $0x20, s29, s13, $0xb8;
	[tilespmem:$0xF400] =	vst v63  }
0x25: {  	_ =	swait.ge [sflag:s11], $0x1000  }
0x26: {  	[sflag:s11] =	ssyncset.done $0x0  }
0x27: {  	s30 =	simm.s32 $0x100;
	[sflag:s11] =	ssyncadd.s32 $0xFFFFF000  }
0x28: {  	[spmem:s2] =	stream.indirect.scatter.add.f32 [tilespmem:s15], [sflag:$0x1], $0x20, s30, s13, $0xb8;
	[tilespmem:$0xF400] =	vst v63  }
0x29: {  	_ =	swait.ge [sflag:s11], $0x1000  }
0x2a: {  	[sflag:s11] =	ssyncset.done $0x0  }
0x2b: {  	s31 =	simm.s32 $0x180;
	[sflag:s11] =	ssyncadd.s32 $0xFFFFF000  }
0x2c: {  	[spmem:s2] =	stream.indirect.scatter.add.f32 [tilespmem:s16], [sflag:$0x1], $0x20, s31, s13, $0xb8;
	[tilespmem:$0xF400] =	vst v63  }
0x2d: {  	_ =	swait.ge [sflag:s11], $0x1000  }
0x2e: {  	s19 =	simm.s32 $0x1000;
	s18 =	simm.s32 $0x800;
	[sflag:s11] =	ssyncset.done $0x0  }
.LBB2_2:
0x2f: {  	s20 =	sadd.s32 s18, s9  }
0x30: {  	[sflag:s11] =	ssyncadd.s32 $0xFFFFF000;
	s21 =	smov.u32 s19;
	s22 =	sadd.s32 $0x800, s19  }
0x31: {  	[tilespmem:s12], [sflag:$0x1] =	stream.linear.gather [hbm4b:s20+s3], $0x4000, $0x38;
	[tilespmem:$0xF400] =	vst v63  }
0x32: {  	p0 =	sne.s32 s19, $0x4800;
	_ =	swait.ge [sflag:s11], $0x4000  }
0x33: {  	[sflag:s11] =	ssyncset.done $0x0  }
0x34: {  	s19 =	sshra.s32 s18, $0x2;
	s18 =	smov.u32 s21;
	[sflag:s11] =	ssyncadd.s32 $0xFFFFC000  }
0x35: {  	[spmem:s2] =	stream.indirect.scatter.add.f32 [tilespmem:s12], [sflag:$0x1], $0x20, s19, s13, $0xb8;
	[tilespmem:$0xF400] =	vst v63  }
0x36: {  	_ =	swait.ge [sflag:s11], $0x1000  }
0x37: {  	[sflag:s11] =	ssyncset.done $0x0  }
0x38: {  	s20 =	sadd.s32 $0x80, s19;
	[sflag:s11] =	ssyncadd.s32 $0xFFFFF000  }
0x39: {  	[spmem:s2] =	stream.indirect.scatter.add.f32 [tilespmem:s14], [sflag:$0x1], $0x20, s20, s13, $0xb8;
	[tilespmem:$0xF400] =	vst v63  }
0x3a: {  	_ =	swait.ge [sflag:s11], $0x1000  }
0x3b: {  	[sflag:s11] =	ssyncset.done $0x0  }
0x3c: {  	s20 =	sadd.s32 $0x100, s19;
	[sflag:s11] =	ssyncadd.s32 $0xFFFFF000  }
0x3d: {  	[spmem:s2] =	stream.indirect.scatter.add.f32 [tilespmem:s15], [sflag:$0x1], $0x20, s20, s13, $0xb8;
	[tilespmem:$0xF400] =	vst v63  }
0x3e: {  	_ =	swait.ge [sflag:s11], $0x1000  }
.Ltmp0:
0x3f: {  	[sflag:s11] =	ssyncset.done $0x0;
	(pc) =	sbr.rel @p0 .LBB2_2-.Ltmp0, $4  }
0x40: {  	s19 =	sadd.s32 $0x180, s19;
	[sflag:s11] =	ssyncadd.s32 $0xFFFFF000  }
0x41: {  	[spmem:s2] =	stream.indirect.scatter.add.f32 [tilespmem:s16], [sflag:$0x1], $0x20, s19, s13, $0xb8;
	[tilespmem:$0xF400] =	vst v63  }
0x42: {  	_ =	swait.ge [sflag:s11], $0x1000  }
0x43: {  	s19 =	smov.u32 s22;
	[sflag:s11] =	ssyncset.done $0x0  }
0x44: {  	s19 =	sadd.s32 s18, s9;
	[sflag:s11] =	ssyncadd.s32 $0xFFFFF000  }
0x45: {  	[tilespmem:s12], [sflag:$0x1] =	stream.linear.gather [hbm4b:s19+s3], $0x4000, $0x38;
	[tilespmem:$0xF400] =	vst v63  }
0x46: {  	_ =	swait.ge [sflag:s11], $0x4000  }
0x47: {  	[sflag:s11] =	ssyncset.done $0x0  }
0x48: {  	s29 =	sshra.s32 s18, $0x2;
	[sflag:s11] =	ssyncadd.s32 $0xFFFFC000  }
0x49: {  	[spmem:s2] =	stream.indirect.scatter.add.f32 [tilespmem:s12], [sflag:$0x1], $0x20, s29, s13, $0xb8;
	[tilespmem:$0xF400] =	vst v63  }
0x4a: {  	_ =	swait.ge [sflag:s11], $0x1000  }
0x4b: {  	[sflag:s11] =	ssyncset.done $0x0  }
0x4c: {  	s30 =	sadd.s32 $0x80, s29;
	[sflag:s11] =	ssyncadd.s32 $0xFFFFF000  }
0x4d: {  	[spmem:s2] =	stream.indirect.scatter.add.f32 [tilespmem:s14], [sflag:$0x1], $0x20, s30, s13, $0xb8;
	[tilespmem:$0xF400] =	vst v63  }
0x4e: {  	_ =	swait.ge [sflag:s11], $0x1000  }
0x4f: {  	[sflag:s11] =	ssyncset.done $0x0  }
0x50: {  	s31 =	sadd.s32 $0x100, s29;
	[sflag:s11] =	ssyncadd.s32 $0xFFFFF000  }
0x51: {  	[spmem:s2] =	stream.indirect.scatter.add.f32 [tilespmem:s15], [sflag:$0x1], $0x20, s31, s13, $0xb8;
	[tilespmem:$0xF400] =	vst v63  }
0x52: {  	_ =	swait.ge [sflag:s11], $0x1000  }
0x53: {  	[sflag:s11] =	ssyncset.done $0x0  }
0x54: {  	s18 =	sadd.s32 $0x180, s29;
	[sflag:s11] =	ssyncadd.s32 $0xFFFFF000  }
0x55: {  	[spmem:s2] =	stream.indirect.scatter.add.f32 [tilespmem:s16], [sflag:$0x1], $0x20, s18, s13, $0xb8;
	[tilespmem:$0xF400] =	vst v63  }
0x56: {  	_ =	swait.ge [sflag:s11], $0x1000  }
0x57: {  	[sflag:s11] =	ssyncset.done $0x0  }
0x58: {  	[sflag:s11] =	ssyncadd.s32 $0xFFFFF000  }
0x59: {  	[bflag:$0x0] =	sbarrier.arrive $0xFFFF  }
0x5a: {  	[tilespmem:s10], [sflag:$0x1] =	stream.linear.gather [spmem:s5], $0x5000, $0x38;
	[tilespmem:$0xF400] =	vst v63  }
0x5b: {  	s17 =	sadd.s32 $0x1, s17;
	_ =	swait.ge [sflag:s11], $0x5000  }
0x5c: {  	p0 =	sne.s32 s17, s8;
	[sflag:s11] =	ssyncset.done $0x0  }
.Ltmp1:
0x5d: {  	[sflag:s11] =	ssyncadd.s32 $0xFFFFB000;
	(pc) =	sbr.rel @p0 .LBB2_1-.Ltmp1, $4  }
0x5e: {  	[hbm4b:s7+s3] =	stream.linear.scatter [tilespmem:s10], [sflag:$0x1], $0x5000, $0x38;
	[tilespmem:$0xF400] =	vst v63  }
0x5f: {  	_ =	swait.ge [sflag:s11], $0x5000  }
0x60: {  	[sflag:s11] =	ssyncset.done $0x0  }
0x61: {  	[sflag:s11] =	ssyncadd.s32 $0xFFFFB000  }
0x62: {  	_ =	sfence.sel $0x180000  }
0x63: {  	[bflag:$0x0] =	sbarrier.arrive $0xFFFF  }
0x64: {  	p0 =	sne.s32 s0, $0x0;
	_ =	strace $0x9000004A  }
0x65: {  	s0 =	sadd.s32 @!p0 $0x100000, s1;
	[bflag:$0x2] =	sbarrier.arrive $0xFFFF  }
0x66: {  	[sflag:s0] =	ssyncadd.tile.s32 @!p0 $0x1;
	_ =	shalt  }
.Lfunc_end2:
_tile_overlayer_lowered:
.L_overlay_start_2:
0x67: {  	(tag) =	ssettag $0x2  }
0x68: {  	s0 =	rddreg [dreg:$0x0];
	s2 =	stileid.u32  }
0x69: {  	s1 =	rddreg [dreg:$0x1];
	p0 =	sne.s32 s2, $0x0  }
0x6a: {  	s3 =	rddreg [dreg:$0x2];
	[bflag:$0x3] =	sbarrier.arrive $0xFFFF;
	s2 =	simm.s32 @!p0 $0x1C01  }
0x6b: {  	[timem:s3], [sflag:s2] =	dma.local @!p0 [hbm:s0], s1  }
0x6c: {  	s0 =	simm.s32 @!p0 $0x1  }
0x6d: {  	_ =	swait.ge @!p0 [sflag:s0], s1  }
0x6e: {  	s1 =	ssub.s32 @!p0 $0x0, s1;
	[sflag:s0] =	ssyncset.done @!p0 $0x0  }
0x6f: {  	[sflag:s0] =	ssyncadd.s32 @!p0 s1  }
0x70: {  	[bflag:$0x3] =	sbarrier.arrive $0xFFFF  }
0x71: {  	_ =	shalt  }

</sc_bundles>
